<compile_context>
chip_gen: v7x
topology: tpu7x:2x2x1
jax: 0.10.2.dev20260603
libtpu: 0.0.44.dev20260713+nightly
codegen_flags: <defaults>
</compile_context>

<pallas_src>
import functools

import jax
import jax.numpy as jnp
from jax import lax
from jax.experimental import pallas as pl
from jax.experimental.pallas import tpu as pltpu
from jax.experimental.pallas import tpu_sc as plsc

DIM = 64

NC = 2
NS = 16
NW = NC * NS

WINDOW = 200


@jax.jit
def _sc_gather(num_flat, pair_table):
    B = num_flat.shape[0]
    b_per_w = B // NW
    n_steps = b_per_w // WINDOW
    assert n_steps % 4 == 0

    mesh = plsc.VectorSubcoreMesh(core_axis_name="c", subcore_axis_name="s")

    @functools.partial(
        pl.kernel,
        mesh=mesh,
        out_type=jax.ShapeDtypeStruct((B, DIM), jnp.float32),
        scratch_types=[
            pltpu.VMEM((2 * WINDOW,), jnp.int32),
            pltpu.VMEM((2 * WINDOW,), jnp.int32),
            pltpu.VMEM((WINDOW, 2 * DIM), jnp.float32),
            pltpu.VMEM((WINDOW, 2 * DIM), jnp.float32),
            pltpu.VMEM((WINDOW, DIM), jnp.float32),
            pltpu.VMEM((WINDOW, DIM), jnp.float32),
            pltpu.SemaphoreType.DMA,
            pltpu.SemaphoreType.DMA,
            pltpu.SemaphoreType.DMA,
            pltpu.SemaphoreType.DMA,
            pltpu.SemaphoreType.DMA,
            pltpu.SemaphoreType.DMA,
        ],
    )
    def k(idx_hbm, table_hbm, out_hbm,
          idx0, idx1, rows0, rows1, out0, out1,
          gsem0, gsem1, osem0, osem1, isem0, isem1):
        wid = lax.axis_index("s") * NC + lax.axis_index("c")
        base = wid * b_per_w

        def compact(rows, out):
            @pl.loop(0, WINDOW, step=2)
            def _(w):
                for dw in range(2):
                    for c in range(DIM // 16):
                        out[w + dw, pl.ds(c * 16, 16)] = \
                            rows[w + dw, pl.ds(c * 16, 16)]

        def wb_cp(out, sem, off):
            return pltpu.make_async_copy(
                out, out_hbm.at[pl.ds(off, WINDOW)], sem)

        def idx_cp(ib, isem, j):
            return pltpu.make_async_copy(
                idx_hbm.at[pl.ds(base + j * WINDOW, 2 * WINDOW)], ib, isem)

        def body(j, ib, isem):
            idx_cp(ib, isem, j).wait()
            g0 = pltpu.async_copy(
                table_hbm.at[ib.at[pl.ds(0, WINDOW)]], rows0, gsem0)
            g1 = pltpu.async_copy(
                table_hbm.at[ib.at[pl.ds(WINDOW, WINDOW)]], rows1, gsem1)
            g0.wait()

            @pl.when(j >= 2)
            def _():
                wb_cp(out0, osem0, base + (j - 2) * WINDOW).wait()

            compact(rows0, out0)
            wb_cp(out0, osem0, base + j * WINDOW).start()
            g1.wait()

            @pl.when(j + 4 < n_steps)
            def _():
                idx_cp(ib, isem, j + 4).start()

            @pl.when(j >= 2)
            def _():
                wb_cp(out1, osem1, base + (j - 1) * WINDOW).wait()

            compact(rows1, out1)
            wb_cp(out1, osem1, base + (j + 1) * WINDOW).start()

        idx_cp(idx0, isem0, 0).start()
        idx_cp(idx1, isem1, 2).start()

        @pl.loop(0, n_steps // 4)
        def _(mm):
            body(4 * mm, idx0, isem0)
            body(4 * mm + 2, idx1, isem1)

        last0 = base + (n_steps - 2) * WINDOW
        wb_cp(out0, osem0, last0).wait()
        wb_cp(out1, osem1, last0 + WINDOW).wait()

    return k(num_flat, pair_table)


def kernel(num, pe):
    B = num.shape[0] * num.shape[1]
    pair_table = jnp.concatenate([pe, jnp.roll(pe, -1, axis=0)], axis=1)
    out = _sc_gather(num.reshape(B), pair_table)
    return out.reshape(num.shape[0], num.shape[1], DIM)

# --- scband reference (transcript-rebuilt; emitter-appended) ---
"""Pipeline reference for scband-numeric-encoding-4260607558077 (READ-ONLY COPY).

The authoritative reference and input builder live on the scoring server;
editing this copy changes nothing except your own understanding.
"""

import jax, jax.numpy as jnp
import numpy as np
import math

C = 10000.0
DIM = 64
N_MAX = 10000


def _build_pe():
    args = jnp.exp(-math.log(C) * jnp.arange(0, DIM, 2, dtype=jnp.float32) / DIM)
    args = jnp.arange(N_MAX, dtype=jnp.float32)[:, None] * args[None, :]
    sins = jnp.sin(args)
    coss = jnp.cos(args)
    pe = jnp.zeros((N_MAX, DIM), dtype=jnp.float32)
    pe = pe.at[:, ::2].set(sins)
    pe = pe.at[:, 1::2].set(coss)
    return pe


def setup_inputs(seed: int = 0) -> dict:
    key = jax.random.key(seed)
    num = jax.random.randint(key, (16384, 200), 0, N_MAX, dtype=jnp.int64 if jax.config.jax_enable_x64 else jnp.int32)
    pe = _build_pe()
    return {"num": num, "pe": pe}


def reference(num, pe):
    # Faithful translation of NumericEncoding.forward: gather rows of pe by num
    return jnp.take(pe, num, axis=0)

if __name__ == "__main__":
    import jax
    _d = setup_inputs()
    print(jax.jit(kernel)(*tuple(_d.values())))

</pallas_src>

<mosaic_0001>
#map = affine_map<(d0, d1) -> (0)>
#map1 = affine_map<(d0, d1) -> (0, 0)>
module attributes {stable_mosaic.version = 14 : i64} {
  func.func @k(%arg0: i32, %arg1: i32, %arg2: memref<3276800xi32, #tpu.memory_space<hbm>>, %arg3: memref<10000x128xf32, #tpu.memory_space<hbm>>, %arg4: memref<3276800x64xf32, #tpu.memory_space<hbm>>, %arg5: memref<400xi32, #tpu.memory_space<vmem>>, %arg6: memref<400xi32, #tpu.memory_space<vmem>>, %arg7: memref<200x128xf32, #tpu.memory_space<vmem>>, %arg8: memref<200x128xf32, #tpu.memory_space<vmem>>, %arg9: memref<200x64xf32, #tpu.memory_space<vmem>>, %arg10: memref<200x64xf32, #tpu.memory_space<vmem>>, %arg11: memref<!tpu.dma_semaphore, #tpu.memory_space<semaphore_mem>>, %arg12: memref<!tpu.dma_semaphore, #tpu.memory_space<semaphore_mem>>, %arg13: memref<!tpu.dma_semaphore, #tpu.memory_space<semaphore_mem>>, %arg14: memref<!tpu.dma_semaphore, #tpu.memory_space<semaphore_mem>>, %arg15: memref<!tpu.dma_semaphore, #tpu.memory_space<semaphore_mem>>, %arg16: memref<!tpu.dma_semaphore, #tpu.memory_space<semaphore_mem>>) attributes {dimension_semantics = [#tpu.dimension_semantics<core_parallel>, #tpu.dimension_semantics<subcore_parallel>], iteration_bounds = array<i64: 2, 16>, scalar_prefetch = 0 : i64, scratch_operands = 12 : i64, tpu.core_type = #tpu.core_type<sc_vector_subcore>, window_params = [{transform_indices = #map}, {transform_indices = #map1}, {transform_indices = #map1}]} {
    %mul3A = arith.constant 2 : i32
    %mul3A_0 = arith.muli %arg1, %mul3A : i32
    %add3A = arith.addi %mul3A_0, %arg0 : i32
    %mul3A_1 = arith.constant 102400 : i32
    %mul3A_2 = arith.muli %add3A, %mul3A_1 : i32
    %add3A_3 = arith.constant 0 : i32
    %add3A_4 = arith.addi %mul3A_2, %add3A_3 : i32
    %dma_start3A = tpu.memref_slice %arg2[%add3A_4] : memref<3276800xi32, #tpu.memory_space<hbm>> -> memref<400xi32, #tpu.memory_space<hbm>>
    %dma_start3A_5 = tpu.memref_slice %arg2[%add3A_4] : memref<3276800xi32, #tpu.memory_space<hbm>> -> memref<400xi32, #tpu.memory_space<hbm>>
    tpu.enqueue_dma source(%dma_start3A_5 : memref<400xi32, #tpu.memory_space<hbm>>) target(%arg5 : memref<400xi32, #tpu.memory_space<vmem>>) target_semaphore(%arg15 : memref<!tpu.dma_semaphore, #tpu.memory_space<semaphore_mem>>)
    %add3A_6 = arith.constant 400 : i32
    %add3A_7 = arith.addi %mul3A_2, %add3A_6 : i32
    %dma_start3A_8 = tpu.memref_slice %arg2[%add3A_7] : memref<3276800xi32, #tpu.memory_space<hbm>> -> memref<400xi32, #tpu.memory_space<hbm>>
    %dma_start3A_9 = tpu.memref_slice %arg2[%add3A_7] : memref<3276800xi32, #tpu.memory_space<hbm>> -> memref<400xi32, #tpu.memory_space<hbm>>
    tpu.enqueue_dma source(%dma_start3A_9 : memref<400xi32, #tpu.memory_space<hbm>>) target(%arg6 : memref<400xi32, #tpu.memory_space<vmem>>) target_semaphore(%arg16 : memref<!tpu.dma_semaphore, #tpu.memory_space<semaphore_mem>>)
    %scan3A = arith.constant 0 : i32
    %scan3A_10 = arith.constant 128 : i32
    %scan3A_11 = arith.addi %scan3A, %scan3A_10 : i32
    %scan3A_12 = arith.constant 1 : i32
    scf.for %scan3A_25 = %scan3A to %scan3A_11 step %scan3A_12  : i32 {
      %mul3A_26 = arith.constant 1 : i32
      %mul3A_27 = arith.muli %scan3A_25, %mul3A_26 : i32
      %add3A_28 = arith.constant 0 : i32
      %add3A_29 = arith.addi %add3A_28, %mul3A_27 : i32
      %mul3A_30 = arith.constant 4 : i32
      %mul3A_31 = arith.muli %mul3A_30, %add3A_29 : i32
      %mul3A_32 = arith.constant 200 : i32
      %mul3A_33 = arith.muli %mul3A_31, %mul3A_32 : i32
      %add3A_34 = arith.addi %mul3A_2, %mul3A_33 : i32
      %dma_wait3A_35 = tpu.memref_slice %arg2[%add3A_34] : memref<3276800xi32, #tpu.memory_space<hbm>> -> memref<400xi32, #tpu.memory_space<hbm>>
      %dma_wait3A_36 = tpu.memref_slice %arg2[%add3A_34] : memref<3276800xi32, #tpu.memory_space<hbm>> -> memref<400xi32, #tpu.memory_space<hbm>>
      tpu.wait_dma2 semaphore(%arg15 : memref<!tpu.dma_semaphore, #tpu.memory_space<semaphore_mem>>) src(%dma_wait3A_36 : memref<400xi32, #tpu.memory_space<hbm>>) dst(%arg5 : memref<400xi32, #tpu.memory_space<vmem>>)
      %dma_start3A_37 = arith.constant 0 : i32
      %dma_start3A_38 = tpu.memref_slice %arg5[%dma_start3A_37] : memref<400xi32, #tpu.memory_space<vmem>> -> memref<200xi32, #tpu.memory_space<vmem>>
      %dma_start3A_39 = arith.constant 0 : i32
      %dma_start3A_40 = arith.constant 0 : i32
      %dma_start3A_41 = tpu.memref_slice %arg3[%dma_start3A_39, %dma_start3A_40] : memref<10000x128xf32, #tpu.memory_space<hbm>> -> memref<10000x128xf32, #tpu.memory_space<hbm>>
      tpu.enqueue_indirect_dma source(%dma_start3A_41 : memref<10000x128xf32, #tpu.memory_space<hbm>>) target(%arg7 : memref<200x128xf32, #tpu.memory_space<vmem>>) offsets(%dma_start3A_38 : memref<200xi32, #tpu.memory_space<vmem>>) semaphore(%arg11 : memref<!tpu.dma_semaphore, #tpu.memory_space<semaphore_mem>>)
      %dma_start3A_42 = arith.constant 200 : i32
      %dma_start3A_43 = tpu.memref_slice %arg5[%dma_start3A_42] : memref<400xi32, #tpu.memory_space<vmem>> -> memref<200xi32, #tpu.memory_space<vmem>>
      %dma_start3A_44 = arith.constant 0 : i32
      %dma_start3A_45 = arith.constant 0 : i32
      %dma_start3A_46 = tpu.memref_slice %arg3[%dma_start3A_44, %dma_start3A_45] : memref<10000x128xf32, #tpu.memory_space<hbm>> -> memref<10000x128xf32, #tpu.memory_space<hbm>>
      tpu.enqueue_indirect_dma source(%dma_start3A_46 : memref<10000x128xf32, #tpu.memory_space<hbm>>) target(%arg8 : memref<200x128xf32, #tpu.memory_space<vmem>>) offsets(%dma_start3A_43 : memref<200xi32, #tpu.memory_space<vmem>>) semaphore(%arg12 : memref<!tpu.dma_semaphore, #tpu.memory_space<semaphore_mem>>)
      %dma_wait3A_47 = arith.constant 0 : i32
      %dma_wait3A_48 = tpu.memref_slice %arg5[%dma_wait3A_47] : memref<400xi32, #tpu.memory_space<vmem>> -> memref<200xi32, #tpu.memory_space<vmem>>
      %dma_wait3A_49 = arith.constant 0 : i32
      %dma_wait3A_50 = arith.constant 0 : i32
      %dma_wait3A_51 = tpu.memref_slice %arg3[%dma_wait3A_49, %dma_wait3A_50] : memref<10000x128xf32, #tpu.memory_space<hbm>> -> memref<10000x128xf32, #tpu.memory_space<hbm>>
      tpu.wait_indirect_dma semaphore(%arg11 : memref<!tpu.dma_semaphore, #tpu.memory_space<semaphore_mem>>) src(%dma_wait3A_51 : memref<10000x128xf32, #tpu.memory_space<hbm>>) dst(%arg7 : memref<200x128xf32, #tpu.memory_space<vmem>>)
      %ge3A = arith.constant 2 : i32
      %ge3A_52 = arith.cmpi sge, %mul3A_31, %ge3A : i32
      %convert_element_type3A = arith.extui %ge3A_52 : i1 to i32
      %cond3A = arith.constant 0 : i32
      %cond3A_53 = arith.cmpi ne, %convert_element_type3A, %cond3A : i32
      scf.if %cond3A_53 {
        %sub3A = arith.constant 2 : i32
        %sub3A_168 = arith.subi %mul3A_31, %sub3A : i32
        %mul3A_169 = arith.constant 200 : i32
        %mul3A_170 = arith.muli %sub3A_168, %mul3A_169 : i32
        %add3A_171 = arith.addi %mul3A_2, %mul3A_170 : i32
        %dma_wait3A_172 = arith.constant 0 : i32
        %dma_wait3A_173 = tpu.memref_slice %arg4[%add3A_171, %dma_wait3A_172] : memref<3276800x64xf32, #tpu.memory_space<hbm>> -> memref<200x64xf32, #tpu.memory_space<hbm>>
        %dma_wait3A_174 = arith.constant 0 : i32
        %dma_wait3A_175 = tpu.memref_slice %arg4[%add3A_171, %dma_wait3A_174] : memref<3276800x64xf32, #tpu.memory_space<hbm>> -> memref<200x64xf32, #tpu.memory_space<hbm>>
        tpu.wait_dma2 semaphore(%arg13 : memref<!tpu.dma_semaphore, #tpu.memory_space<semaphore_mem>>) src(%arg9 : memref<200x64xf32, #tpu.memory_space<vmem>>) dst(%dma_wait3A_175 : memref<200x64xf32, #tpu.memory_space<hbm>>)
      } else {
      }
      %scan3A_54 = arith.constant 0 : i32
      %scan3A_55 = arith.constant 100 : i32
      %scan3A_56 = arith.addi %scan3A_54, %scan3A_55 : i32
      %scan3A_57 = arith.constant 1 : i32
      scf.for %scan3A_168 = %scan3A_54 to %scan3A_56 step %scan3A_57  : i32 {
        %mul3A_169 = arith.constant 2 : i32
        %mul3A_170 = arith.muli %scan3A_168, %mul3A_169 : i32
        %add3A_171 = arith.constant 0 : i32
        %add3A_172 = arith.addi %add3A_171, %mul3A_170 : i32
        %add3A_173 = arith.constant 0 : i32
        %add3A_174 = arith.addi %add3A_172, %add3A_173 : i32
        %get3A = arith.index_cast %add3A_174 : i32 to index
        %get3A_175 = arith.constant 0 : index
        %get3A_176 = tpu.vector_load %arg7[%get3A, %get3A_175] {strides = array<i32>} : memref<200x128xf32, #tpu.memory_space<vmem>>, vector<1x16xf32>,
        %get3A_177 = vector.shape_cast %get3A_176 : vector<1x16xf32> to vector<16xf32>
        %add3A_178 = arith.constant 0 : i32
        %add3A_179 = arith.addi %add3A_172, %add3A_178 : i32
        %swap3A = arith.index_cast %add3A_179 : i32 to index
        %swap3A_180 = arith.constant 0 : index
        %swap3A_181 = tpu.vector_load %arg9[%swap3A, %swap3A_180] {strides = array<i32>} : memref<200x64xf32, #tpu.memory_space<vmem>>, vector<1x16xf32>,
        %swap3A_182 = vector.shape_cast %swap3A_181 : vector<1x16xf32> to vector<16xf32>
        %swap3A_183 = vector.shape_cast %get3A_177 : vector<16xf32> to vector<1x16xf32>
        tpu.vector_store %arg9[%swap3A, %swap3A_180], %swap3A_183 {strides = array<i32>} : memref<200x64xf32, #tpu.memory_space<vmem>>, vector<1x16xf32>,
        %add3A_184 = arith.constant 0 : i32
        %add3A_185 = arith.addi %add3A_172, %add3A_184 : i32
        %get3A_186 = arith.index_cast %add3A_185 : i32 to index
        %get3A_187 = arith.constant 16 : index
        %get3A_188 = tpu.vector_load %arg7[%get3A_186, %get3A_187] {strides = array<i32>} : memref<200x128xf32, #tpu.memory_space<vmem>>, vector<1x16xf32>,
        %get3A_189 = vector.shape_cast %get3A_188 : vector<1x16xf32> to vector<16xf32>
        %add3A_190 = arith.constant 0 : i32
        %add3A_191 = arith.addi %add3A_172, %add3A_190 : i32
        %swap3A_192 = arith.index_cast %add3A_191 : i32 to index
        %swap3A_193 = arith.constant 16 : index
        %swap3A_194 = tpu.vector_load %arg9[%swap3A_192, %swap3A_193] {strides = array<i32>} : memref<200x64xf32, #tpu.memory_space<vmem>>, vector<1x16xf32>,
        %swap3A_195 = vector.shape_cast %swap3A_194 : vector<1x16xf32> to vector<16xf32>
        %swap3A_196 = vector.shape_cast %get3A_189 : vector<16xf32> to vector<1x16xf32>
        tpu.vector_store %arg9[%swap3A_192, %swap3A_193], %swap3A_196 {strides = array<i32>} : memref<200x64xf32, #tpu.memory_space<vmem>>, vector<1x16xf32>,
        %add3A_197 = arith.constant 0 : i32
        %add3A_198 = arith.addi %add3A_172, %add3A_197 : i32
        %get3A_199 = arith.index_cast %add3A_198 : i32 to index
        %get3A_200 = arith.constant 32 : index
        %get3A_201 = tpu.vector_load %arg7[%get3A_199, %get3A_200] {strides = array<i32>} : memref<200x128xf32, #tpu.memory_space<vmem>>, vector<1x16xf32>,
        %get3A_202 = vector.shape_cast %get3A_201 : vector<1x16xf32> to vector<16xf32>
        %add3A_203 = arith.constant 0 : i32
        %add3A_204 = arith.addi %add3A_172, %add3A_203 : i32
        %swap3A_205 = arith.index_cast %add3A_204 : i32 to index
        %swap3A_206 = arith.constant 32 : index
        %swap3A_207 = tpu.vector_load %arg9[%swap3A_205, %swap3A_206] {strides = array<i32>} : memref<200x64xf32, #tpu.memory_space<vmem>>, vector<1x16xf32>,
        %swap3A_208 = vector.shape_cast %swap3A_207 : vector<1x16xf32> to vector<16xf32>
        %swap3A_209 = vector.shape_cast %get3A_202 : vector<16xf32> to vector<1x16xf32>
        tpu.vector_store %arg9[%swap3A_205, %swap3A_206], %swap3A_209 {strides = array<i32>} : memref<200x64xf32, #tpu.memory_space<vmem>>, vector<1x16xf32>,
        %add3A_210 = arith.constant 0 : i32
        %add3A_211 = arith.addi %add3A_172, %add3A_210 : i32
        %get3A_212 = arith.index_cast %add3A_211 : i32 to index
        %get3A_213 = arith.constant 48 : index
        %get3A_214 = tpu.vector_load %arg7[%get3A_212, %get3A_213] {strides = array<i32>} : memref<200x128xf32, #tpu.memory_space<vmem>>, vector<1x16xf32>,
        %get3A_215 = vector.shape_cast %get3A_214 : vector<1x16xf32> to vector<16xf32>
        %add3A_216 = arith.constant 0 : i32
        %add3A_217 = arith.addi %add3A_172, %add3A_216 : i32
        %swap3A_218 = arith.index_cast %add3A_217 : i32 to index
        %swap3A_219 = arith.constant 48 : index
        %swap3A_220 = tpu.vector_load %arg9[%swap3A_218, %swap3A_219] {strides = array<i32>} : memref<200x64xf32, #tpu.memory_space<vmem>>, vector<1x16xf32>,
        %swap3A_221 = vector.shape_cast %swap3A_220 : vector<1x16xf32> to vector<16xf32>
        %swap3A_222 = vector.shape_cast %get3A_215 : vector<16xf32> to vector<1x16xf32>
        tpu.vector_store %arg9[%swap3A_218, %swap3A_219], %swap3A_222 {strides = array<i32>} : memref<200x64xf32, #tpu.memory_space<vmem>>, vector<1x16xf32>,
        %add3A_223 = arith.constant 1 : i32
        %add3A_224 = arith.addi %add3A_172, %add3A_223 : i32
        %get3A_225 = arith.index_cast %add3A_224 : i32 to index
        %get3A_226 = arith.constant 0 : index
        %get3A_227 = tpu.vector_load %arg7[%get3A_225, %get3A_226] {strides = array<i32>} : memref<200x128xf32, #tpu.memory_space<vmem>>, vector<1x16xf32>,
        %get3A_228 = vector.shape_cast %get3A_227 : vector<1x16xf32> to vector<16xf32>
        %add3A_229 = arith.constant 1 : i32
        %add3A_230 = arith.addi %add3A_172, %add3A_229 : i32
        %swap3A_231 = arith.index_cast %add3A_230 : i32 to index
        %swap3A_232 = arith.constant 0 : index
        %swap3A_233 = tpu.vector_load %arg9[%swap3A_231, %swap3A_232] {strides = array<i32>} : memref<200x64xf32, #tpu.memory_space<vmem>>, vector<1x16xf32>,
        %swap3A_234 = vector.shape_cast %swap3A_233 : vector<1x16xf32> to vector<16xf32>
        %swap3A_235 = vector.shape_cast %get3A_228 : vector<16xf32> to vector<1x16xf32>
        tpu.vector_store %arg9[%swap3A_231, %swap3A_232], %swap3A_235 {strides = array<i32>} : memref<200x64xf32, #tpu.memory_space<vmem>>, vector<1x16xf32>,
        %add3A_236 = arith.constant 1 : i32
        %add3A_237 = arith.addi %add3A_172, %add3A_236 : i32
        %get3A_238 = arith.index_cast %add3A_237 : i32 to index
        %get3A_239 = arith.constant 16 : index
        %get3A_240 = tpu.vector_load %arg7[%get3A_238, %get3A_239] {strides = array<i32>} : memref<200x128xf32, #tpu.memory_space<vmem>>, vector<1x16xf32>,
        %get3A_241 = vector.shape_cast %get3A_240 : vector<1x16xf32> to vector<16xf32>
        %add3A_242 = arith.constant 1 : i32
        %add3A_243 = arith.addi %add3A_172, %add3A_242 : i32
        %swap3A_244 = arith.index_cast %add3A_243 : i32 to index
        %swap3A_245 = arith.constant 16 : index
        %swap3A_246 = tpu.vector_load %arg9[%swap3A_244, %swap3A_245] {strides = array<i32>} : memref<200x64xf32, #tpu.memory_space<vmem>>, vector<1x16xf32>,
        %swap3A_247 = vector.shape_cast %swap3A_246 : vector<1x16xf32> to vector<16xf32>
        %swap3A_248 = vector.shape_cast %get3A_241 : vector<16xf32> to vector<1x16xf32>
        tpu.vector_store %arg9[%swap3A_244, %swap3A_245], %swap3A_248 {strides = array<i32>} : memref<200x64xf32, #tpu.memory_space<vmem>>, vector<1x16xf32>,
        %add3A_249 = arith.constant 1 : i32
        %add3A_250 = arith.addi %add3A_172, %add3A_249 : i32
        %get3A_251 = arith.index_cast %add3A_250 : i32 to index
        %get3A_252 = arith.constant 32 : index
        %get3A_253 = tpu.vector_load %arg7[%get3A_251, %get3A_252] {strides = array<i32>} : memref<200x128xf32, #tpu.memory_space<vmem>>, vector<1x16xf32>,
        %get3A_254 = vector.shape_cast %get3A_253 : vector<1x16xf32> to vector<16xf32>
        %add3A_255 = arith.constant 1 : i32
        %add3A_256 = arith.addi %add3A_172, %add3A_255 : i32
        %swap3A_257 = arith.index_cast %add3A_256 : i32 to index
        %swap3A_258 = arith.constant 32 : index
        %swap3A_259 = tpu.vector_load %arg9[%swap3A_257, %swap3A_258] {strides = array<i32>} : memref<200x64xf32, #tpu.memory_space<vmem>>, vector<1x16xf32>,
        %swap3A_260 = vector.shape_cast %swap3A_259 : vector<1x16xf32> to vector<16xf32>
        %swap3A_261 = vector.shape_cast %get3A_254 : vector<16xf32> to vector<1x16xf32>
        tpu.vector_store %arg9[%swap3A_257, %swap3A_258], %swap3A_261 {strides = array<i32>} : memref<200x64xf32, #tpu.memory_space<vmem>>, vector<1x16xf32>,
        %add3A_262 = arith.constant 1 : i32
        %add3A_263 = arith.addi %add3A_172, %add3A_262 : i32
        %get3A_264 = arith.index_cast %add3A_263 : i32 to index
        %get3A_265 = arith.constant 48 : index
        %get3A_266 = tpu.vector_load %arg7[%get3A_264, %get3A_265] {strides = array<i32>} : memref<200x128xf32, #tpu.memory_space<vmem>>, vector<1x16xf32>,
        %get3A_267 = vector.shape_cast %get3A_266 : vector<1x16xf32> to vector<16xf32>
        %add3A_268 = arith.constant 1 : i32
        %add3A_269 = arith.addi %add3A_172, %add3A_268 : i32
        %swap3A_270 = arith.index_cast %add3A_269 : i32 to index
        %swap3A_271 = arith.constant 48 : index
        %swap3A_272 = tpu.vector_load %arg9[%swap3A_270, %swap3A_271] {strides = array<i32>} : memref<200x64xf32, #tpu.memory_space<vmem>>, vector<1x16xf32>,
        %swap3A_273 = vector.shape_cast %swap3A_272 : vector<1x16xf32> to vector<16xf32>
        %swap3A_274 = vector.shape_cast %get3A_267 : vector<16xf32> to vector<1x16xf32>
        tpu.vector_store %arg9[%swap3A_270, %swap3A_271], %swap3A_274 {strides = array<i32>} : memref<200x64xf32, #tpu.memory_space<vmem>>, vector<1x16xf32>,
      }
      %scan3A_58 = arith.constant 100 : i32
      %mul3A_59 = arith.constant 200 : i32
      %mul3A_60 = arith.muli %mul3A_31, %mul3A_59 : i32
      %add3A_61 = arith.addi %mul3A_2, %mul3A_60 : i32
      %dma_start3A_62 = arith.constant 0 : i32
      %dma_start3A_63 = tpu.memref_slice %arg4[%add3A_61, %dma_start3A_62] : memref<3276800x64xf32, #tpu.memory_space<hbm>> -> memref<200x64xf32, #tpu.memory_space<hbm>>
      %dma_start3A_64 = arith.constant 0 : i32
      %dma_start3A_65 = tpu.memref_slice %arg4[%add3A_61, %dma_start3A_64] : memref<3276800x64xf32, #tpu.memory_space<hbm>> -> memref<200x64xf32, #tpu.memory_space<hbm>>
      tpu.enqueue_dma source(%arg9 : memref<200x64xf32, #tpu.memory_space<vmem>>) target(%dma_start3A_65 : memref<200x64xf32, #tpu.memory_space<hbm>>) target_semaphore(%arg13 : memref<!tpu.dma_semaphore, #tpu.memory_space<semaphore_mem>>)
      %dma_wait3A_66 = arith.constant 200 : i32
      %dma_wait3A_67 = tpu.memref_slice %arg5[%dma_wait3A_66] : memref<400xi32, #tpu.memory_space<vmem>> -> memref<200xi32, #tpu.memory_space<vmem>>
      %dma_wait3A_68 = arith.constant 0 : i32
      %dma_wait3A_69 = arith.constant 0 : i32
      %dma_wait3A_70 = tpu.memref_slice %arg3[%dma_wait3A_68, %dma_wait3A_69] : memref<10000x128xf32, #tpu.memory_space<hbm>> -> memref<10000x128xf32, #tpu.memory_space<hbm>>
      tpu.wait_indirect_dma semaphore(%arg12 : memref<!tpu.dma_semaphore, #tpu.memory_space<semaphore_mem>>) src(%dma_wait3A_70 : memref<10000x128xf32, #tpu.memory_space<hbm>>) dst(%arg8 : memref<200x128xf32, #tpu.memory_space<vmem>>)
      %add3A_71 = arith.constant 4 : i32
      %add3A_72 = arith.addi %mul3A_31, %add3A_71 : i32
      %lt3A = arith.constant 512 : i32
      %lt3A_73 = arith.cmpi slt, %add3A_72, %lt3A : i32
      %convert_element_type3A_74 = arith.extui %lt3A_73 : i1 to i32
      %cond3A_75 = arith.constant 0 : i32
      %cond3A_76 = arith.cmpi ne, %convert_element_type3A_74, %cond3A_75 : i32
      scf.if %cond3A_76 {
        %add3A_168 = arith.constant 4 : i32
        %add3A_169 = arith.addi %mul3A_31, %add3A_168 : i32
        %mul3A_170 = arith.constant 200 : i32
        %mul3A_171 = arith.muli %add3A_169, %mul3A_170 : i32
        %add3A_172 = arith.addi %mul3A_2, %mul3A_171 : i32
        %dma_start3A_173 = tpu.memref_slice %arg2[%add3A_172] : memref<3276800xi32, #tpu.memory_space<hbm>> -> memref<400xi32, #tpu.memory_space<hbm>>
        %dma_start3A_174 = tpu.memref_slice %arg2[%add3A_172] : memref<3276800xi32, #tpu.memory_space<hbm>> -> memref<400xi32, #tpu.memory_space<hbm>>
        tpu.enqueue_dma source(%dma_start3A_174 : memref<400xi32, #tpu.memory_space<hbm>>) target(%arg5 : memref<400xi32, #tpu.memory_space<vmem>>) target_semaphore(%arg15 : memref<!tpu.dma_semaphore, #tpu.memory_space<semaphore_mem>>)
      } else {
      }
      %ge3A_77 = arith.constant 2 : i32
      %ge3A_78 = arith.cmpi sge, %mul3A_31, %ge3A_77 : i32
      %convert_element_type3A_79 = arith.extui %ge3A_78 : i1 to i32
      %cond3A_80 = arith.constant 0 : i32
      %cond3A_81 = arith.cmpi ne, %convert_element_type3A_79, %cond3A_80 : i32
      scf.if %cond3A_81 {
        %sub3A = arith.constant 1 : i32
        %sub3A_168 = arith.subi %mul3A_31, %sub3A : i32
        %mul3A_169 = arith.constant 200 : i32
        %mul3A_170 = arith.muli %sub3A_168, %mul3A_169 : i32
        %add3A_171 = arith.addi %mul3A_2, %mul3A_170 : i32
        %dma_wait3A_172 = arith.constant 0 : i32
        %dma_wait3A_173 = tpu.memref_slice %arg4[%add3A_171, %dma_wait3A_172] : memref<3276800x64xf32, #tpu.memory_space<hbm>> -> memref<200x64xf32, #tpu.memory_space<hbm>>
        %dma_wait3A_174 = arith.constant 0 : i32
        %dma_wait3A_175 = tpu.memref_slice %arg4[%add3A_171, %dma_wait3A_174] : memref<3276800x64xf32, #tpu.memory_space<hbm>> -> memref<200x64xf32, #tpu.memory_space<hbm>>
        tpu.wait_dma2 semaphore(%arg14 : memref<!tpu.dma_semaphore, #tpu.memory_space<semaphore_mem>>) src(%arg10 : memref<200x64xf32, #tpu.memory_space<vmem>>) dst(%dma_wait3A_175 : memref<200x64xf32, #tpu.memory_space<hbm>>)
      } else {
      }
      %scan3A_82 = arith.constant 0 : i32
      %scan3A_83 = arith.constant 100 : i32
      %scan3A_84 = arith.addi %scan3A_82, %scan3A_83 : i32
      %scan3A_85 = arith.constant 1 : i32
      scf.for %scan3A_168 = %scan3A_82 to %scan3A_84 step %scan3A_85  : i32 {
        %mul3A_169 = arith.constant 2 : i32
        %mul3A_170 = arith.muli %scan3A_168, %mul3A_169 : i32
        %add3A_171 = arith.constant 0 : i32
        %add3A_172 = arith.addi %add3A_171, %mul3A_170 : i32
        %add3A_173 = arith.constant 0 : i32
        %add3A_174 = arith.addi %add3A_172, %add3A_173 : i32
        %get3A = arith.index_cast %add3A_174 : i32 to index
        %get3A_175 = arith.constant 0 : index
        %get3A_176 = tpu.vector_load %arg8[%get3A, %get3A_175] {strides = array<i32>} : memref<200x128xf32, #tpu.memory_space<vmem>>, vector<1x16xf32>,
        %get3A_177 = vector.shape_cast %get3A_176 : vector<1x16xf32> to vector<16xf32>
        %add3A_178 = arith.constant 0 : i32
        %add3A_179 = arith.addi %add3A_172, %add3A_178 : i32
        %swap3A = arith.index_cast %add3A_179 : i32 to index
        %swap3A_180 = arith.constant 0 : index
        %swap3A_181 = tpu.vector_load %arg10[%swap3A, %swap3A_180] {strides = array<i32>} : memref<200x64xf32, #tpu.memory_space<vmem>>, vector<1x16xf32>,
        %swap3A_182 = vector.shape_cast %swap3A_181 : vector<1x16xf32> to vector<16xf32>
        %swap3A_183 = vector.shape_cast %get3A_177 : vector<16xf32> to vector<1x16xf32>
        tpu.vector_store %arg10[%swap3A, %swap3A_180], %swap3A_183 {strides = array<i32>} : memref<200x64xf32, #tpu.memory_space<vmem>>, vector<1x16xf32>,
        %add3A_184 = arith.constant 0 : i32
        %add3A_185 = arith.addi %add3A_172, %add3A_184 : i32
        %get3A_186 = arith.index_cast %add3A_185 : i32 to index
        %get3A_187 = arith.constant 16 : index
        %get3A_188 = tpu.vector_load %arg8[%get3A_186, %get3A_187] {strides = array<i32>} : memref<200x128xf32, #tpu.memory_space<vmem>>, vector<1x16xf32>,
        %get3A_189 = vector.shape_cast %get3A_188 : vector<1x16xf32> to vector<16xf32>
        %add3A_190 = arith.constant 0 : i32
        %add3A_191 = arith.addi %add3A_172, %add3A_190 : i32
        %swap3A_192 = arith.index_cast %add3A_191 : i32 to index
        %swap3A_193 = arith.constant 16 : index
        %swap3A_194 = tpu.vector_load %arg10[%swap3A_192, %swap3A_193] {strides = array<i32>} : memref<200x64xf32, #tpu.memory_space<vmem>>, vector<1x16xf32>,
        %swap3A_195 = vector.shape_cast %swap3A_194 : vector<1x16xf32> to vector<16xf32>
        %swap3A_196 = vector.shape_cast %get3A_189 : vector<16xf32> to vector<1x16xf32>
        tpu.vector_store %arg10[%swap3A_192, %swap3A_193], %swap3A_196 {strides = array<i32>} : memref<200x64xf32, #tpu.memory_space<vmem>>, vector<1x16xf32>,
        %add3A_197 = arith.constant 0 : i32
        %add3A_198 = arith.addi %add3A_172, %add3A_197 : i32
        %get3A_199 = arith.index_cast %add3A_198 : i32 to index
        %get3A_200 = arith.constant 32 : index
        %get3A_201 = tpu.vector_load %arg8[%get3A_199, %get3A_200] {strides = array<i32>} : memref<200x128xf32, #tpu.memory_space<vmem>>, vector<1x16xf32>,
        %get3A_202 = vector.shape_cast %get3A_201 : vector<1x16xf32> to vector<16xf32>
        %add3A_203 = arith.constant 0 : i32
        %add3A_204 = arith.addi %add3A_172, %add3A_203 : i32
        %swap3A_205 = arith.index_cast %add3A_204 : i32 to index
        %swap3A_206 = arith.constant 32 : index
        %swap3A_207 = tpu.vector_load %arg10[%swap3A_205, %swap3A_206] {strides = array<i32>} : memref<200x64xf32, #tpu.memory_space<vmem>>, vector<1x16xf32>,
        %swap3A_208 = vector.shape_cast %swap3A_207 : vector<1x16xf32> to vector<16xf32>
        %swap3A_209 = vector.shape_cast %get3A_202 : vector<16xf32> to vector<1x16xf32>
        tpu.vector_store %arg10[%swap3A_205, %swap3A_206], %swap3A_209 {strides = array<i32>} : memref<200x64xf32, #tpu.memory_space<vmem>>, vector<1x16xf32>,
        %add3A_210 = arith.constant 0 : i32
        %add3A_211 = arith.addi %add3A_172, %add3A_210 : i32
        %get3A_212 = arith.index_cast %add3A_211 : i32 to index
        %get3A_213 = arith.constant 48 : index
        %get3A_214 = tpu.vector_load %arg8[%get3A_212, %get3A_213] {strides = array<i32>} : memref<200x128xf32, #tpu.memory_space<vmem>>, vector<1x16xf32>,
        %get3A_215 = vector.shape_cast %get3A_214 : vector<1x16xf32> to vector<16xf32>
        %add3A_216 = arith.constant 0 : i32
        %add3A_217 = arith.addi %add3A_172, %add3A_216 : i32
        %swap3A_218 = arith.index_cast %add3A_217 : i32 to index
        %swap3A_219 = arith.constant 48 : index
        %swap3A_220 = tpu.vector_load %arg10[%swap3A_218, %swap3A_219] {strides = array<i32>} : memref<200x64xf32, #tpu.memory_space<vmem>>, vector<1x16xf32>,
        %swap3A_221 = vector.shape_cast %swap3A_220 : vector<1x16xf32> to vector<16xf32>
        %swap3A_222 = vector.shape_cast %get3A_215 : vector<16xf32> to vector<1x16xf32>
        tpu.vector_store %arg10[%swap3A_218, %swap3A_219], %swap3A_222 {strides = array<i32>} : memref<200x64xf32, #tpu.memory_space<vmem>>, vector<1x16xf32>,
        %add3A_223 = arith.constant 1 : i32
        %add3A_224 = arith.addi %add3A_172, %add3A_223 : i32
        %get3A_225 = arith.index_cast %add3A_224 : i32 to index
        %get3A_226 = arith.constant 0 : index
        %get3A_227 = tpu.vector_load %arg8[%get3A_225, %get3A_226] {strides = array<i32>} : memref<200x128xf32, #tpu.memory_space<vmem>>, vector<1x16xf32>,
        %get3A_228 = vector.shape_cast %get3A_227 : vector<1x16xf32> to vector<16xf32>
        %add3A_229 = arith.constant 1 : i32
        %add3A_230 = arith.addi %add3A_172, %add3A_229 : i32
        %swap3A_231 = arith.index_cast %add3A_230 : i32 to index
        %swap3A_232 = arith.constant 0 : index
        %swap3A_233 = tpu.vector_load %arg10[%swap3A_231, %swap3A_232] {strides = array<i32>} : memref<200x64xf32, #tpu.memory_space<vmem>>, vector<1x16xf32>,
        %swap3A_234 = vector.shape_cast %swap3A_233 : vector<1x16xf32> to vector<16xf32>
        %swap3A_235 = vector.shape_cast %get3A_228 : vector<16xf32> to vector<1x16xf32>
        tpu.vector_store %arg10[%swap3A_231, %swap3A_232], %swap3A_235 {strides = array<i32>} : memref<200x64xf32, #tpu.memory_space<vmem>>, vector<1x16xf32>,
        %add3A_236 = arith.constant 1 : i32
        %add3A_237 = arith.addi %add3A_172, %add3A_236 : i32
        %get3A_238 = arith.index_cast %add3A_237 : i32 to index
        %get3A_239 = arith.constant 16 : index
        %get3A_240 = tpu.vector_load %arg8[%get3A_238, %get3A_239] {strides = array<i32>} : memref<200x128xf32, #tpu.memory_space<vmem>>, vector<1x16xf32>,
        %get3A_241 = vector.shape_cast %get3A_240 : vector<1x16xf32> to vector<16xf32>
        %add3A_242 = arith.constant 1 : i32
        %add3A_243 = arith.addi %add3A_172, %add3A_242 : i32
        %swap3A_244 = arith.index_cast %add3A_243 : i32 to index
        %swap3A_245 = arith.constant 16 : index
        %swap3A_246 = tpu.vector_load %arg10[%swap3A_244, %swap3A_245] {strides = array<i32>} : memref<200x64xf32, #tpu.memory_space<vmem>>, vector<1x16xf32>,
        %swap3A_247 = vector.shape_cast %swap3A_246 : vector<1x16xf32> to vector<16xf32>
        %swap3A_248 = vector.shape_cast %get3A_241 : vector<16xf32> to vector<1x16xf32>
        tpu.vector_store %arg10[%swap3A_244, %swap3A_245], %swap3A_248 {strides = array<i32>} : memref<200x64xf32, #tpu.memory_space<vmem>>, vector<1x16xf32>,
        %add3A_249 = arith.constant 1 : i32
        %add3A_250 = arith.addi %add3A_172, %add3A_249 : i32
        %get3A_251 = arith.index_cast %add3A_250 : i32 to index
        %get3A_252 = arith.constant 32 : index
        %get3A_253 = tpu.vector_load %arg8[%get3A_251, %get3A_252] {strides = array<i32>} : memref<200x128xf32, #tpu.memory_space<vmem>>, vector<1x16xf32>,
        %get3A_254 = vector.shape_cast %get3A_253 : vector<1x16xf32> to vector<16xf32>
        %add3A_255 = arith.constant 1 : i32
        %add3A_256 = arith.addi %add3A_172, %add3A_255 : i32
        %swap3A_257 = arith.index_cast %add3A_256 : i32 to index
        %swap3A_258 = arith.constant 32 : index
        %swap3A_259 = tpu.vector_load %arg10[%swap3A_257, %swap3A_258] {strides = array<i32>} : memref<200x64xf32, #tpu.memory_space<vmem>>, vector<1x16xf32>,
        %swap3A_260 = vector.shape_cast %swap3A_259 : vector<1x16xf32> to vector<16xf32>
        %swap3A_261 = vector.shape_cast %get3A_254 : vector<16xf32> to vector<1x16xf32>
        tpu.vector_store %arg10[%swap3A_257, %swap3A_258], %swap3A_261 {strides = array<i32>} : memref<200x64xf32, #tpu.memory_space<vmem>>, vector<1x16xf32>,
        %add3A_262 = arith.constant 1 : i32
        %add3A_263 = arith.addi %add3A_172, %add3A_262 : i32
        %get3A_264 = arith.index_cast %add3A_263 : i32 to index
        %get3A_265 = arith.constant 48 : index
        %get3A_266 = tpu.vector_load %arg8[%get3A_264, %get3A_265] {strides = array<i32>} : memref<200x128xf32, #tpu.memory_space<vmem>>, vector<1x16xf32>,
        %get3A_267 = vector.shape_cast %get3A_266 : vector<1x16xf32> to vector<16xf32>
        %add3A_268 = arith.constant 1 : i32
        %add3A_269 = arith.addi %add3A_172, %add3A_268 : i32
        %swap3A_270 = arith.index_cast %add3A_269 : i32 to index
        %swap3A_271 = arith.constant 48 : index
        %swap3A_272 = tpu.vector_load %arg10[%swap3A_270, %swap3A_271] {strides = array<i32>} : memref<200x64xf32, #tpu.memory_space<vmem>>, vector<1x16xf32>,
        %swap3A_273 = vector.shape_cast %swap3A_272 : vector<1x16xf32> to vector<16xf32>
        %swap3A_274 = vector.shape_cast %get3A_267 : vector<16xf32> to vector<1x16xf32>
        tpu.vector_store %arg10[%swap3A_270, %swap3A_271], %swap3A_274 {strides = array<i32>} : memref<200x64xf32, #tpu.memory_space<vmem>>, vector<1x16xf32>,
      }
      %scan3A_86 = arith.constant 100 : i32
      %add3A_87 = arith.constant 1 : i32
      %add3A_88 = arith.addi %mul3A_31, %add3A_87 : i32
      %mul3A_89 = arith.constant 200 : i32
      %mul3A_90 = arith.muli %add3A_88, %mul3A_89 : i32
      %add3A_91 = arith.addi %mul3A_2, %mul3A_90 : i32
      %dma_start3A_92 = arith.constant 0 : i32
      %dma_start3A_93 = tpu.memref_slice %arg4[%add3A_91, %dma_start3A_92] : memref<3276800x64xf32, #tpu.memory_space<hbm>> -> memref<200x64xf32, #tpu.memory_space<hbm>>
      %dma_start3A_94 = arith.constant 0 : i32
      %dma_start3A_95 = tpu.memref_slice %arg4[%add3A_91, %dma_start3A_94] : memref<3276800x64xf32, #tpu.memory_space<hbm>> -> memref<200x64xf32, #tpu.memory_space<hbm>>
      tpu.enqueue_dma source(%arg10 : memref<200x64xf32, #tpu.memory_space<vmem>>) target(%dma_start3A_95 : memref<200x64xf32, #tpu.memory_space<hbm>>) target_semaphore(%arg14 : memref<!tpu.dma_semaphore, #tpu.memory_space<semaphore_mem>>)
      %mul3A_96 = arith.constant 4 : i32
      %mul3A_97 = arith.muli %mul3A_96, %add3A_29 : i32
      %add3A_98 = arith.constant 2 : i32
      %add3A_99 = arith.addi %mul3A_97, %add3A_98 : i32
      %mul3A_100 = arith.constant 200 : i32
      %mul3A_101 = arith.muli %add3A_99, %mul3A_100 : i32
      %add3A_102 = arith.addi %mul3A_2, %mul3A_101 : i32
      %dma_wait3A_103 = tpu.memref_slice %arg2[%add3A_102] : memref<3276800xi32, #tpu.memory_space<hbm>> -> memref<400xi32, #tpu.memory_space<hbm>>
      %dma_wait3A_104 = tpu.memref_slice %arg2[%add3A_102] : memref<3276800xi32, #tpu.memory_space<hbm>> -> memref<400xi32, #tpu.memory_space<hbm>>
      tpu.wait_dma2 semaphore(%arg16 : memref<!tpu.dma_semaphore, #tpu.memory_space<semaphore_mem>>) src(%dma_wait3A_104 : memref<400xi32, #tpu.memory_space<hbm>>) dst(%arg6 : memref<400xi32, #tpu.memory_space<vmem>>)
      %dma_start3A_105 = arith.constant 0 : i32
      %dma_start3A_106 = tpu.memref_slice %arg6[%dma_start3A_105] : memref<400xi32, #tpu.memory_space<vmem>> -> memref<200xi32, #tpu.memory_space<vmem>>
      %dma_start3A_107 = arith.constant 0 : i32
      %dma_start3A_108 = arith.constant 0 : i32
      %dma_start3A_109 = tpu.memref_slice %arg3[%dma_start3A_107, %dma_start3A_108] : memref<10000x128xf32, #tpu.memory_space<hbm>> -> memref<10000x128xf32, #tpu.memory_space<hbm>>
      tpu.enqueue_indirect_dma source(%dma_start3A_109 : memref<10000x128xf32, #tpu.memory_space<hbm>>) target(%arg7 : memref<200x128xf32, #tpu.memory_space<vmem>>) offsets(%dma_start3A_106 : memref<200xi32, #tpu.memory_space<vmem>>) semaphore(%arg11 : memref<!tpu.dma_semaphore, #tpu.memory_space<semaphore_mem>>)
      %dma_start3A_110 = arith.constant 200 : i32
      %dma_start3A_111 = tpu.memref_slice %arg6[%dma_start3A_110] : memref<400xi32, #tpu.memory_space<vmem>> -> memref<200xi32, #tpu.memory_space<vmem>>
      %dma_start3A_112 = arith.constant 0 : i32
      %dma_start3A_113 = arith.constant 0 : i32
      %dma_start3A_114 = tpu.memref_slice %arg3[%dma_start3A_112, %dma_start3A_113] : memref<10000x128xf32, #tpu.memory_space<hbm>> -> memref<10000x128xf32, #tpu.memory_space<hbm>>
      tpu.enqueue_indirect_dma source(%dma_start3A_114 : memref<10000x128xf32, #tpu.memory_space<hbm>>) target(%arg8 : memref<200x128xf32, #tpu.memory_space<vmem>>) offsets(%dma_start3A_111 : memref<200xi32, #tpu.memory_space<vmem>>) semaphore(%arg12 : memref<!tpu.dma_semaphore, #tpu.memory_space<semaphore_mem>>)
      %dma_wait3A_115 = arith.constant 0 : i32
      %dma_wait3A_116 = tpu.memref_slice %arg6[%dma_wait3A_115] : memref<400xi32, #tpu.memory_space<vmem>> -> memref<200xi32, #tpu.memory_space<vmem>>
      %dma_wait3A_117 = arith.constant 0 : i32
      %dma_wait3A_118 = arith.constant 0 : i32
      %dma_wait3A_119 = tpu.memref_slice %arg3[%dma_wait3A_117, %dma_wait3A_118] : memref<10000x128xf32, #tpu.memory_space<hbm>> -> memref<10000x128xf32, #tpu.memory_space<hbm>>
      tpu.wait_indirect_dma semaphore(%arg11 : memref<!tpu.dma_semaphore, #tpu.memory_space<semaphore_mem>>) src(%dma_wait3A_119 : memref<10000x128xf32, #tpu.memory_space<hbm>>) dst(%arg7 : memref<200x128xf32, #tpu.memory_space<vmem>>)
      %ge3A_120 = arith.constant 2 : i32
      %ge3A_121 = arith.cmpi sge, %add3A_99, %ge3A_120 : i32
      %convert_element_type3A_122 = arith.extui %ge3A_121 : i1 to i32
      %cond3A_123 = arith.constant 0 : i32
      %cond3A_124 = arith.cmpi ne, %convert_element_type3A_122, %cond3A_123 : i32
      scf.if %cond3A_124 {
        %sub3A = arith.constant 2 : i32
        %sub3A_168 = arith.subi %add3A_99, %sub3A : i32
        %mul3A_169 = arith.constant 200 : i32
        %mul3A_170 = arith.muli %sub3A_168, %mul3A_169 : i32
        %add3A_171 = arith.addi %mul3A_2, %mul3A_170 : i32
        %dma_wait3A_172 = arith.constant 0 : i32
        %dma_wait3A_173 = tpu.memref_slice %arg4[%add3A_171, %dma_wait3A_172] : memref<3276800x64xf32, #tpu.memory_space<hbm>> -> memref<200x64xf32, #tpu.memory_space<hbm>>
        %dma_wait3A_174 = arith.constant 0 : i32
        %dma_wait3A_175 = tpu.memref_slice %arg4[%add3A_171, %dma_wait3A_174] : memref<3276800x64xf32, #tpu.memory_space<hbm>> -> memref<200x64xf32, #tpu.memory_space<hbm>>
        tpu.wait_dma2 semaphore(%arg13 : memref<!tpu.dma_semaphore, #tpu.memory_space<semaphore_mem>>) src(%arg9 : memref<200x64xf32, #tpu.memory_space<vmem>>) dst(%dma_wait3A_175 : memref<200x64xf32, #tpu.memory_space<hbm>>)
      } else {
      }
      %scan3A_125 = arith.constant 0 : i32
      %scan3A_126 = arith.constant 100 : i32
      %scan3A_127 = arith.addi %scan3A_125, %scan3A_126 : i32
      %scan3A_128 = arith.constant 1 : i32
      scf.for %scan3A_168 = %scan3A_125 to %scan3A_127 step %scan3A_128  : i32 {
        %mul3A_169 = arith.constant 2 : i32
        %mul3A_170 = arith.muli %scan3A_168, %mul3A_169 : i32
        %add3A_171 = arith.constant 0 : i32
        %add3A_172 = arith.addi %add3A_171, %mul3A_170 : i32
        %add3A_173 = arith.constant 0 : i32
        %add3A_174 = arith.addi %add3A_172, %add3A_173 : i32
        %get3A = arith.index_cast %add3A_174 : i32 to index
        %get3A_175 = arith.constant 0 : index
        %get3A_176 = tpu.vector_load %arg7[%get3A, %get3A_175] {strides = array<i32>} : memref<200x128xf32, #tpu.memory_space<vmem>>, vector<1x16xf32>,
        %get3A_177 = vector.shape_cast %get3A_176 : vector<1x16xf32> to vector<16xf32>
        %add3A_178 = arith.constant 0 : i32
        %add3A_179 = arith.addi %add3A_172, %add3A_178 : i32
        %swap3A = arith.index_cast %add3A_179 : i32 to index
        %swap3A_180 = arith.constant 0 : index
        %swap3A_181 = tpu.vector_load %arg9[%swap3A, %swap3A_180] {strides = array<i32>} : memref<200x64xf32, #tpu.memory_space<vmem>>, vector<1x16xf32>,
        %swap3A_182 = vector.shape_cast %swap3A_181 : vector<1x16xf32> to vector<16xf32>
        %swap3A_183 = vector.shape_cast %get3A_177 : vector<16xf32> to vector<1x16xf32>
        tpu.vector_store %arg9[%swap3A, %swap3A_180], %swap3A_183 {strides = array<i32>} : memref<200x64xf32, #tpu.memory_space<vmem>>, vector<1x16xf32>,
        %add3A_184 = arith.constant 0 : i32
        %add3A_185 = arith.addi %add3A_172, %add3A_184 : i32
        %get3A_186 = arith.index_cast %add3A_185 : i32 to index
        %get3A_187 = arith.constant 16 : index
        %get3A_188 = tpu.vector_load %arg7[%get3A_186, %get3A_187] {strides = array<i32>} : memref<200x128xf32, #tpu.memory_space<vmem>>, vector<1x16xf32>,
        %get3A_189 = vector.shape_cast %get3A_188 : vector<1x16xf32> to vector<16xf32>
        %add3A_190 = arith.constant 0 : i32
        %add3A_191 = arith.addi %add3A_172, %add3A_190 : i32
        %swap3A_192 = arith.index_cast %add3A_191 : i32 to index
        %swap3A_193 = arith.constant 16 : index
        %swap3A_194 = tpu.vector_load %arg9[%swap3A_192, %swap3A_193] {strides = array<i32>} : memref<200x64xf32, #tpu.memory_space<vmem>>, vector<1x16xf32>,
        %swap3A_195 = vector.shape_cast %swap3A_194 : vector<1x16xf32> to vector<16xf32>
        %swap3A_196 = vector.shape_cast %get3A_189 : vector<16xf32> to vector<1x16xf32>
        tpu.vector_store %arg9[%swap3A_192, %swap3A_193], %swap3A_196 {strides = array<i32>} : memref<200x64xf32, #tpu.memory_space<vmem>>, vector<1x16xf32>,
        %add3A_197 = arith.constant 0 : i32
        %add3A_198 = arith.addi %add3A_172, %add3A_197 : i32
        %get3A_199 = arith.index_cast %add3A_198 : i32 to index
        %get3A_200 = arith.constant 32 : index
        %get3A_201 = tpu.vector_load %arg7[%get3A_199, %get3A_200] {strides = array<i32>} : memref<200x128xf32, #tpu.memory_space<vmem>>, vector<1x16xf32>,
        %get3A_202 = vector.shape_cast %get3A_201 : vector<1x16xf32> to vector<16xf32>
        %add3A_203 = arith.constant 0 : i32
        %add3A_204 = arith.addi %add3A_172, %add3A_203 : i32
        %swap3A_205 = arith.index_cast %add3A_204 : i32 to index
        %swap3A_206 = arith.constant 32 : index
        %swap3A_207 = tpu.vector_load %arg9[%swap3A_205, %swap3A_206] {strides = array<i32>} : memref<200x64xf32, #tpu.memory_space<vmem>>, vector<1x16xf32>,
        %swap3A_208 = vector.shape_cast %swap3A_207 : vector<1x16xf32> to vector<16xf32>
        %swap3A_209 = vector.shape_cast %get3A_202 : vector<16xf32> to vector<1x16xf32>
        tpu.vector_store %arg9[%swap3A_205, %swap3A_206], %swap3A_209 {strides = array<i32>} : memref<200x64xf32, #tpu.memory_space<vmem>>, vector<1x16xf32>,
        %add3A_210 = arith.constant 0 : i32
        %add3A_211 = arith.addi %add3A_172, %add3A_210 : i32
        %get3A_212 = arith.index_cast %add3A_211 : i32 to index
        %get3A_213 = arith.constant 48 : index
        %get3A_214 = tpu.vector_load %arg7[%get3A_212, %get3A_213] {strides = array<i32>} : memref<200x128xf32, #tpu.memory_space<vmem>>, vector<1x16xf32>,
        %get3A_215 = vector.shape_cast %get3A_214 : vector<1x16xf32> to vector<16xf32>
        %add3A_216 = arith.constant 0 : i32
        %add3A_217 = arith.addi %add3A_172, %add3A_216 : i32
        %swap3A_218 = arith.index_cast %add3A_217 : i32 to index
        %swap3A_219 = arith.constant 48 : index
        %swap3A_220 = tpu.vector_load %arg9[%swap3A_218, %swap3A_219] {strides = array<i32>} : memref<200x64xf32, #tpu.memory_space<vmem>>, vector<1x16xf32>,
        %swap3A_221 = vector.shape_cast %swap3A_220 : vector<1x16xf32> to vector<16xf32>
        %swap3A_222 = vector.shape_cast %get3A_215 : vector<16xf32> to vector<1x16xf32>
        tpu.vector_store %arg9[%swap3A_218, %swap3A_219], %swap3A_222 {strides = array<i32>} : memref<200x64xf32, #tpu.memory_space<vmem>>, vector<1x16xf32>,
        %add3A_223 = arith.constant 1 : i32
        %add3A_224 = arith.addi %add3A_172, %add3A_223 : i32
        %get3A_225 = arith.index_cast %add3A_224 : i32 to index
        %get3A_226 = arith.constant 0 : index
        %get3A_227 = tpu.vector_load %arg7[%get3A_225, %get3A_226] {strides = array<i32>} : memref<200x128xf32, #tpu.memory_space<vmem>>, vector<1x16xf32>,
        %get3A_228 = vector.shape_cast %get3A_227 : vector<1x16xf32> to vector<16xf32>
        %add3A_229 = arith.constant 1 : i32
        %add3A_230 = arith.addi %add3A_172, %add3A_229 : i32
        %swap3A_231 = arith.index_cast %add3A_230 : i32 to index
        %swap3A_232 = arith.constant 0 : index
        %swap3A_233 = tpu.vector_load %arg9[%swap3A_231, %swap3A_232] {strides = array<i32>} : memref<200x64xf32, #tpu.memory_space<vmem>>, vector<1x16xf32>,
        %swap3A_234 = vector.shape_cast %swap3A_233 : vector<1x16xf32> to vector<16xf32>
        %swap3A_235 = vector.shape_cast %get3A_228 : vector<16xf32> to vector<1x16xf32>
        tpu.vector_store %arg9[%swap3A_231, %swap3A_232], %swap3A_235 {strides = array<i32>} : memref<200x64xf32, #tpu.memory_space<vmem>>, vector<1x16xf32>,
        %add3A_236 = arith.constant 1 : i32
        %add3A_237 = arith.addi %add3A_172, %add3A_236 : i32
        %get3A_238 = arith.index_cast %add3A_237 : i32 to index
        %get3A_239 = arith.constant 16 : index
        %get3A_240 = tpu.vector_load %arg7[%get3A_238, %get3A_239] {strides = array<i32>} : memref<200x128xf32, #tpu.memory_space<vmem>>, vector<1x16xf32>,
        %get3A_241 = vector.shape_cast %get3A_240 : vector<1x16xf32> to vector<16xf32>
        %add3A_242 = arith.constant 1 : i32
        %add3A_243 = arith.addi %add3A_172, %add3A_242 : i32
        %swap3A_244 = arith.index_cast %add3A_243 : i32 to index
        %swap3A_245 = arith.constant 16 : index
        %swap3A_246 = tpu.vector_load %arg9[%swap3A_244, %swap3A_245] {strides = array<i32>} : memref<200x64xf32, #tpu.memory_space<vmem>>, vector<1x16xf32>,
        %swap3A_247 = vector.shape_cast %swap3A_246 : vector<1x16xf32> to vector<16xf32>
        %swap3A_248 = vector.shape_cast %get3A_241 : vector<16xf32> to vector<1x16xf32>
        tpu.vector_store %arg9[%swap3A_244, %swap3A_245], %swap3A_248 {strides = array<i32>} : memref<200x64xf32, #tpu.memory_space<vmem>>, vector<1x16xf32>,
        %add3A_249 = arith.constant 1 : i32
        %add3A_250 = arith.addi %add3A_172, %add3A_249 : i32
        %get3A_251 = arith.index_cast %add3A_250 : i32 to index
        %get3A_252 = arith.constant 32 : index
        %get3A_253 = tpu.vector_load %arg7[%get3A_251, %get3A_252] {strides = array<i32>} : memref<200x128xf32, #tpu.memory_space<vmem>>, vector<1x16xf32>,
        %get3A_254 = vector.shape_cast %get3A_253 : vector<1x16xf32> to vector<16xf32>
        %add3A_255 = arith.constant 1 : i32
        %add3A_256 = arith.addi %add3A_172, %add3A_255 : i32
        %swap3A_257 = arith.index_cast %add3A_256 : i32 to index
        %swap3A_258 = arith.constant 32 : index
        %swap3A_259 = tpu.vector_load %arg9[%swap3A_257, %swap3A_258] {strides = array<i32>} : memref<200x64xf32, #tpu.memory_space<vmem>>, vector<1x16xf32>,
        %swap3A_260 = vector.shape_cast %swap3A_259 : vector<1x16xf32> to vector<16xf32>
        %swap3A_261 = vector.shape_cast %get3A_254 : vector<16xf32> to vector<1x16xf32>
        tpu.vector_store %arg9[%swap3A_257, %swap3A_258], %swap3A_261 {strides = array<i32>} : memref<200x64xf32, #tpu.memory_space<vmem>>, vector<1x16xf32>,
        %add3A_262 = arith.constant 1 : i32
        %add3A_263 = arith.addi %add3A_172, %add3A_262 : i32
        %get3A_264 = arith.index_cast %add3A_263 : i32 to index
        %get3A_265 = arith.constant 48 : index
        %get3A_266 = tpu.vector_load %arg7[%get3A_264, %get3A_265] {strides = array<i32>} : memref<200x128xf32, #tpu.memory_space<vmem>>, vector<1x16xf32>,
        %get3A_267 = vector.shape_cast %get3A_266 : vector<1x16xf32> to vector<16xf32>
        %add3A_268 = arith.constant 1 : i32
        %add3A_269 = arith.addi %add3A_172, %add3A_268 : i32
        %swap3A_270 = arith.index_cast %add3A_269 : i32 to index
        %swap3A_271 = arith.constant 48 : index
        %swap3A_272 = tpu.vector_load %arg9[%swap3A_270, %swap3A_271] {strides = array<i32>} : memref<200x64xf32, #tpu.memory_space<vmem>>, vector<1x16xf32>,
        %swap3A_273 = vector.shape_cast %swap3A_272 : vector<1x16xf32> to vector<16xf32>
        %swap3A_274 = vector.shape_cast %get3A_267 : vector<16xf32> to vector<1x16xf32>
        tpu.vector_store %arg9[%swap3A_270, %swap3A_271], %swap3A_274 {strides = array<i32>} : memref<200x64xf32, #tpu.memory_space<vmem>>, vector<1x16xf32>,
      }
      %scan3A_129 = arith.constant 100 : i32
      %mul3A_130 = arith.constant 200 : i32
      %mul3A_131 = arith.muli %add3A_99, %mul3A_130 : i32
      %add3A_132 = arith.addi %mul3A_2, %mul3A_131 : i32
      %dma_start3A_133 = arith.constant 0 : i32
      %dma_start3A_134 = tpu.memref_slice %arg4[%add3A_132, %dma_start3A_133] : memref<3276800x64xf32, #tpu.memory_space<hbm>> -> memref<200x64xf32, #tpu.memory_space<hbm>>
      %dma_start3A_135 = arith.constant 0 : i32
      %dma_start3A_136 = tpu.memref_slice %arg4[%add3A_132, %dma_start3A_135] : memref<3276800x64xf32, #tpu.memory_space<hbm>> -> memref<200x64xf32, #tpu.memory_space<hbm>>
      tpu.enqueue_dma source(%arg9 : memref<200x64xf32, #tpu.memory_space<vmem>>) target(%dma_start3A_136 : memref<200x64xf32, #tpu.memory_space<hbm>>) target_semaphore(%arg13 : memref<!tpu.dma_semaphore, #tpu.memory_space<semaphore_mem>>)
      %dma_wait3A_137 = arith.constant 200 : i32
      %dma_wait3A_138 = tpu.memref_slice %arg6[%dma_wait3A_137] : memref<400xi32, #tpu.memory_space<vmem>> -> memref<200xi32, #tpu.memory_space<vmem>>
      %dma_wait3A_139 = arith.constant 0 : i32
      %dma_wait3A_140 = arith.constant 0 : i32
      %dma_wait3A_141 = tpu.memref_slice %arg3[%dma_wait3A_139, %dma_wait3A_140] : memref<10000x128xf32, #tpu.memory_space<hbm>> -> memref<10000x128xf32, #tpu.memory_space<hbm>>
      tpu.wait_indirect_dma semaphore(%arg12 : memref<!tpu.dma_semaphore, #tpu.memory_space<semaphore_mem>>) src(%dma_wait3A_141 : memref<10000x128xf32, #tpu.memory_space<hbm>>) dst(%arg8 : memref<200x128xf32, #tpu.memory_space<vmem>>)
      %add3A_142 = arith.constant 4 : i32
      %add3A_143 = arith.addi %add3A_99, %add3A_142 : i32
      %lt3A_144 = arith.constant 512 : i32
      %lt3A_145 = arith.cmpi slt, %add3A_143, %lt3A_144 : i32
      %convert_element_type3A_146 = arith.extui %lt3A_145 : i1 to i32
      %cond3A_147 = arith.constant 0 : i32
      %cond3A_148 = arith.cmpi ne, %convert_element_type3A_146, %cond3A_147 : i32
      scf.if %cond3A_148 {
        %add3A_168 = arith.constant 4 : i32
        %add3A_169 = arith.addi %add3A_99, %add3A_168 : i32
        %mul3A_170 = arith.constant 200 : i32
        %mul3A_171 = arith.muli %add3A_169, %mul3A_170 : i32
        %add3A_172 = arith.addi %mul3A_2, %mul3A_171 : i32
        %dma_start3A_173 = tpu.memref_slice %arg2[%add3A_172] : memref<3276800xi32, #tpu.memory_space<hbm>> -> memref<400xi32, #tpu.memory_space<hbm>>
        %dma_start3A_174 = tpu.memref_slice %arg2[%add3A_172] : memref<3276800xi32, #tpu.memory_space<hbm>> -> memref<400xi32, #tpu.memory_space<hbm>>
        tpu.enqueue_dma source(%dma_start3A_174 : memref<400xi32, #tpu.memory_space<hbm>>) target(%arg6 : memref<400xi32, #tpu.memory_space<vmem>>) target_semaphore(%arg16 : memref<!tpu.dma_semaphore, #tpu.memory_space<semaphore_mem>>)
      } else {
      }
      %ge3A_149 = arith.constant 2 : i32
      %ge3A_150 = arith.cmpi sge, %add3A_99, %ge3A_149 : i32
      %convert_element_type3A_151 = arith.extui %ge3A_150 : i1 to i32
      %cond3A_152 = arith.constant 0 : i32
      %cond3A_153 = arith.cmpi ne, %convert_element_type3A_151, %cond3A_152 : i32
      scf.if %cond3A_153 {
        %sub3A = arith.constant 1 : i32
        %sub3A_168 = arith.subi %add3A_99, %sub3A : i32
        %mul3A_169 = arith.constant 200 : i32
        %mul3A_170 = arith.muli %sub3A_168, %mul3A_169 : i32
        %add3A_171 = arith.addi %mul3A_2, %mul3A_170 : i32
        %dma_wait3A_172 = arith.constant 0 : i32
        %dma_wait3A_173 = tpu.memref_slice %arg4[%add3A_171, %dma_wait3A_172] : memref<3276800x64xf32, #tpu.memory_space<hbm>> -> memref<200x64xf32, #tpu.memory_space<hbm>>
        %dma_wait3A_174 = arith.constant 0 : i32
        %dma_wait3A_175 = tpu.memref_slice %arg4[%add3A_171, %dma_wait3A_174] : memref<3276800x64xf32, #tpu.memory_space<hbm>> -> memref<200x64xf32, #tpu.memory_space<hbm>>
        tpu.wait_dma2 semaphore(%arg14 : memref<!tpu.dma_semaphore, #tpu.memory_space<semaphore_mem>>) src(%arg10 : memref<200x64xf32, #tpu.memory_space<vmem>>) dst(%dma_wait3A_175 : memref<200x64xf32, #tpu.memory_space<hbm>>)
      } else {
      }
      %scan3A_154 = arith.constant 0 : i32
      %scan3A_155 = arith.constant 100 : i32
      %scan3A_156 = arith.addi %scan3A_154, %scan3A_155 : i32
      %scan3A_157 = arith.constant 1 : i32
      scf.for %scan3A_168 = %scan3A_154 to %scan3A_156 step %scan3A_157  : i32 {
        %mul3A_169 = arith.constant 2 : i32
        %mul3A_170 = arith.muli %scan3A_168, %mul3A_169 : i32
        %add3A_171 = arith.constant 0 : i32
        %add3A_172 = arith.addi %add3A_171, %mul3A_170 : i32
        %add3A_173 = arith.constant 0 : i32
        %add3A_174 = arith.addi %add3A_172, %add3A_173 : i32
        %get3A = arith.index_cast %add3A_174 : i32 to index
        %get3A_175 = arith.constant 0 : index
        %get3A_176 = tpu.vector_load %arg8[%get3A, %get3A_175] {strides = array<i32>} : memref<200x128xf32, #tpu.memory_space<vmem>>, vector<1x16xf32>,
        %get3A_177 = vector.shape_cast %get3A_176 : vector<1x16xf32> to vector<16xf32>
        %add3A_178 = arith.constant 0 : i32
        %add3A_179 = arith.addi %add3A_172, %add3A_178 : i32
        %swap3A = arith.index_cast %add3A_179 : i32 to index
        %swap3A_180 = arith.constant 0 : index
        %swap3A_181 = tpu.vector_load %arg10[%swap3A, %swap3A_180] {strides = array<i32>} : memref<200x64xf32, #tpu.memory_space<vmem>>, vector<1x16xf32>,
        %swap3A_182 = vector.shape_cast %swap3A_181 : vector<1x16xf32> to vector<16xf32>
        %swap3A_183 = vector.shape_cast %get3A_177 : vector<16xf32> to vector<1x16xf32>
        tpu.vector_store %arg10[%swap3A, %swap3A_180], %swap3A_183 {strides = array<i32>} : memref<200x64xf32, #tpu.memory_space<vmem>>, vector<1x16xf32>,
        %add3A_184 = arith.constant 0 : i32
        %add3A_185 = arith.addi %add3A_172, %add3A_184 : i32
        %get3A_186 = arith.index_cast %add3A_185 : i32 to index
        %get3A_187 = arith.constant 16 : index
        %get3A_188 = tpu.vector_load %arg8[%get3A_186, %get3A_187] {strides = array<i32>} : memref<200x128xf32, #tpu.memory_space<vmem>>, vector<1x16xf32>,
        %get3A_189 = vector.shape_cast %get3A_188 : vector<1x16xf32> to vector<16xf32>
        %add3A_190 = arith.constant 0 : i32
        %add3A_191 = arith.addi %add3A_172, %add3A_190 : i32
        %swap3A_192 = arith.index_cast %add3A_191 : i32 to index
        %swap3A_193 = arith.constant 16 : index
        %swap3A_194 = tpu.vector_load %arg10[%swap3A_192, %swap3A_193] {strides = array<i32>} : memref<200x64xf32, #tpu.memory_space<vmem>>, vector<1x16xf32>,
        %swap3A_195 = vector.shape_cast %swap3A_194 : vector<1x16xf32> to vector<16xf32>
        %swap3A_196 = vector.shape_cast %get3A_189 : vector<16xf32> to vector<1x16xf32>
        tpu.vector_store %arg10[%swap3A_192, %swap3A_193], %swap3A_196 {strides = array<i32>} : memref<200x64xf32, #tpu.memory_space<vmem>>, vector<1x16xf32>,
        %add3A_197 = arith.constant 0 : i32
        %add3A_198 = arith.addi %add3A_172, %add3A_197 : i32
        %get3A_199 = arith.index_cast %add3A_198 : i32 to index
        %get3A_200 = arith.constant 32 : index
        %get3A_201 = tpu.vector_load %arg8[%get3A_199, %get3A_200] {strides = array<i32>} : memref<200x128xf32, #tpu.memory_space<vmem>>, vector<1x16xf32>,
        %get3A_202 = vector.shape_cast %get3A_201 : vector<1x16xf32> to vector<16xf32>
        %add3A_203 = arith.constant 0 : i32
        %add3A_204 = arith.addi %add3A_172, %add3A_203 : i32
        %swap3A_205 = arith.index_cast %add3A_204 : i32 to index
        %swap3A_206 = arith.constant 32 : index
        %swap3A_207 = tpu.vector_load %arg10[%swap3A_205, %swap3A_206] {strides = array<i32>} : memref<200x64xf32, #tpu.memory_space<vmem>>, vector<1x16xf32>,
        %swap3A_208 = vector.shape_cast %swap3A_207 : vector<1x16xf32> to vector<16xf32>
        %swap3A_209 = vector.shape_cast %get3A_202 : vector<16xf32> to vector<1x16xf32>
        tpu.vector_store %arg10[%swap3A_205, %swap3A_206], %swap3A_209 {strides = array<i32>} : memref<200x64xf32, #tpu.memory_space<vmem>>, vector<1x16xf32>,
        %add3A_210 = arith.constant 0 : i32
        %add3A_211 = arith.addi %add3A_172, %add3A_210 : i32
        %get3A_212 = arith.index_cast %add3A_211 : i32 to index
        %get3A_213 = arith.constant 48 : index
        %get3A_214 = tpu.vector_load %arg8[%get3A_212, %get3A_213] {strides = array<i32>} : memref<200x128xf32, #tpu.memory_space<vmem>>, vector<1x16xf32>,
        %get3A_215 = vector.shape_cast %get3A_214 : vector<1x16xf32> to vector<16xf32>
        %add3A_216 = arith.constant 0 : i32
        %add3A_217 = arith.addi %add3A_172, %add3A_216 : i32
        %swap3A_218 = arith.index_cast %add3A_217 : i32 to index
        %swap3A_219 = arith.constant 48 : index
        %swap3A_220 = tpu.vector_load %arg10[%swap3A_218, %swap3A_219] {strides = array<i32>} : memref<200x64xf32, #tpu.memory_space<vmem>>, vector<1x16xf32>,
        %swap3A_221 = vector.shape_cast %swap3A_220 : vector<1x16xf32> to vector<16xf32>
        %swap3A_222 = vector.shape_cast %get3A_215 : vector<16xf32> to vector<1x16xf32>
        tpu.vector_store %arg10[%swap3A_218, %swap3A_219], %swap3A_222 {strides = array<i32>} : memref<200x64xf32, #tpu.memory_space<vmem>>, vector<1x16xf32>,
        %add3A_223 = arith.constant 1 : i32
        %add3A_224 = arith.addi %add3A_172, %add3A_223 : i32
        %get3A_225 = arith.index_cast %add3A_224 : i32 to index
        %get3A_226 = arith.constant 0 : index
        %get3A_227 = tpu.vector_load %arg8[%get3A_225, %get3A_226] {strides = array<i32>} : memref<200x128xf32, #tpu.memory_space<vmem>>, vector<1x16xf32>,
        %get3A_228 = vector.shape_cast %get3A_227 : vector<1x16xf32> to vector<16xf32>
        %add3A_229 = arith.constant 1 : i32
        %add3A_230 = arith.addi %add3A_172, %add3A_229 : i32
        %swap3A_231 = arith.index_cast %add3A_230 : i32 to index
        %swap3A_232 = arith.constant 0 : index
        %swap3A_233 = tpu.vector_load %arg10[%swap3A_231, %swap3A_232] {strides = array<i32>} : memref<200x64xf32, #tpu.memory_space<vmem>>, vector<1x16xf32>,
        %swap3A_234 = vector.shape_cast %swap3A_233 : vector<1x16xf32> to vector<16xf32>
        %swap3A_235 = vector.shape_cast %get3A_228 : vector<16xf32> to vector<1x16xf32>
        tpu.vector_store %arg10[%swap3A_231, %swap3A_232], %swap3A_235 {strides = array<i32>} : memref<200x64xf32, #tpu.memory_space<vmem>>, vector<1x16xf32>,
        %add3A_236 = arith.constant 1 : i32
        %add3A_237 = arith.addi %add3A_172, %add3A_236 : i32
        %get3A_238 = arith.index_cast %add3A_237 : i32 to index
        %get3A_239 = arith.constant 16 : index
        %get3A_240 = tpu.vector_load %arg8[%get3A_238, %get3A_239] {strides = array<i32>} : memref<200x128xf32, #tpu.memory_space<vmem>>, vector<1x16xf32>,
        %get3A_241 = vector.shape_cast %get3A_240 : vector<1x16xf32> to vector<16xf32>
        %add3A_242 = arith.constant 1 : i32
        %add3A_243 = arith.addi %add3A_172, %add3A_242 : i32
        %swap3A_244 = arith.index_cast %add3A_243 : i32 to index
        %swap3A_245 = arith.constant 16 : index
        %swap3A_246 = tpu.vector_load %arg10[%swap3A_244, %swap3A_245] {strides = array<i32>} : memref<200x64xf32, #tpu.memory_space<vmem>>, vector<1x16xf32>,
        %swap3A_247 = vector.shape_cast %swap3A_246 : vector<1x16xf32> to vector<16xf32>
        %swap3A_248 = vector.shape_cast %get3A_241 : vector<16xf32> to vector<1x16xf32>
        tpu.vector_store %arg10[%swap3A_244, %swap3A_245], %swap3A_248 {strides = array<i32>} : memref<200x64xf32, #tpu.memory_space<vmem>>, vector<1x16xf32>,
        %add3A_249 = arith.constant 1 : i32
        %add3A_250 = arith.addi %add3A_172, %add3A_249 : i32
        %get3A_251 = arith.index_cast %add3A_250 : i32 to index
        %get3A_252 = arith.constant 32 : index
        %get3A_253 = tpu.vector_load %arg8[%get3A_251, %get3A_252] {strides = array<i32>} : memref<200x128xf32, #tpu.memory_space<vmem>>, vector<1x16xf32>,
        %get3A_254 = vector.shape_cast %get3A_253 : vector<1x16xf32> to vector<16xf32>
        %add3A_255 = arith.constant 1 : i32
        %add3A_256 = arith.addi %add3A_172, %add3A_255 : i32
        %swap3A_257 = arith.index_cast %add3A_256 : i32 to index
        %swap3A_258 = arith.constant 32 : index
        %swap3A_259 = tpu.vector_load %arg10[%swap3A_257, %swap3A_258] {strides = array<i32>} : memref<200x64xf32, #tpu.memory_space<vmem>>, vector<1x16xf32>,
        %swap3A_260 = vector.shape_cast %swap3A_259 : vector<1x16xf32> to vector<16xf32>
        %swap3A_261 = vector.shape_cast %get3A_254 : vector<16xf32> to vector<1x16xf32>
        tpu.vector_store %arg10[%swap3A_257, %swap3A_258], %swap3A_261 {strides = array<i32>} : memref<200x64xf32, #tpu.memory_space<vmem>>, vector<1x16xf32>,
        %add3A_262 = arith.constant 1 : i32
        %add3A_263 = arith.addi %add3A_172, %add3A_262 : i32
        %get3A_264 = arith.index_cast %add3A_263 : i32 to index
        %get3A_265 = arith.constant 48 : index
        %get3A_266 = tpu.vector_load %arg8[%get3A_264, %get3A_265] {strides = array<i32>} : memref<200x128xf32, #tpu.memory_space<vmem>>, vector<1x16xf32>,
        %get3A_267 = vector.shape_cast %get3A_266 : vector<1x16xf32> to vector<16xf32>
        %add3A_268 = arith.constant 1 : i32
        %add3A_269 = arith.addi %add3A_172, %add3A_268 : i32
        %swap3A_270 = arith.index_cast %add3A_269 : i32 to index
        %swap3A_271 = arith.constant 48 : index
        %swap3A_272 = tpu.vector_load %arg10[%swap3A_270, %swap3A_271] {strides = array<i32>} : memref<200x64xf32, #tpu.memory_space<vmem>>, vector<1x16xf32>,
        %swap3A_273 = vector.shape_cast %swap3A_272 : vector<1x16xf32> to vector<16xf32>
        %swap3A_274 = vector.shape_cast %get3A_267 : vector<16xf32> to vector<1x16xf32>
        tpu.vector_store %arg10[%swap3A_270, %swap3A_271], %swap3A_274 {strides = array<i32>} : memref<200x64xf32, #tpu.memory_space<vmem>>, vector<1x16xf32>,
      }
      %scan3A_158 = arith.constant 100 : i32
      %add3A_159 = arith.constant 1 : i32
      %add3A_160 = arith.addi %add3A_99, %add3A_159 : i32
      %mul3A_161 = arith.constant 200 : i32
      %mul3A_162 = arith.muli %add3A_160, %mul3A_161 : i32
      %add3A_163 = arith.addi %mul3A_2, %mul3A_162 : i32
      %dma_start3A_164 = arith.constant 0 : i32
      %dma_start3A_165 = tpu.memref_slice %arg4[%add3A_163, %dma_start3A_164] : memref<3276800x64xf32, #tpu.memory_space<hbm>> -> memref<200x64xf32, #tpu.memory_space<hbm>>
      %dma_start3A_166 = arith.constant 0 : i32
      %dma_start3A_167 = tpu.memref_slice %arg4[%add3A_163, %dma_start3A_166] : memref<3276800x64xf32, #tpu.memory_space<hbm>> -> memref<200x64xf32, #tpu.memory_space<hbm>>
      tpu.enqueue_dma source(%arg10 : memref<200x64xf32, #tpu.memory_space<vmem>>) target(%dma_start3A_167 : memref<200x64xf32, #tpu.memory_space<hbm>>) target_semaphore(%arg14 : memref<!tpu.dma_semaphore, #tpu.memory_space<semaphore_mem>>)
    }
    %scan3A_13 = arith.constant 128 : i32
    %add3A_14 = arith.constant 102000 : i32
    %add3A_15 = arith.addi %mul3A_2, %add3A_14 : i32
    %dma_wait3A = arith.constant 0 : i32
    %dma_wait3A_16 = tpu.memref_slice %arg4[%add3A_15, %dma_wait3A] : memref<3276800x64xf32, #tpu.memory_space<hbm>> -> memref<200x64xf32, #tpu.memory_space<hbm>>
    %dma_wait3A_17 = arith.constant 0 : i32
    %dma_wait3A_18 = tpu.memref_slice %arg4[%add3A_15, %dma_wait3A_17] : memref<3276800x64xf32, #tpu.memory_space<hbm>> -> memref<200x64xf32, #tpu.memory_space<hbm>>
    tpu.wait_dma2 semaphore(%arg13 : memref<!tpu.dma_semaphore, #tpu.memory_space<semaphore_mem>>) src(%arg9 : memref<200x64xf32, #tpu.memory_space<vmem>>) dst(%dma_wait3A_18 : memref<200x64xf32, #tpu.memory_space<hbm>>)
    %add3A_19 = arith.constant 200 : i32
    %add3A_20 = arith.addi %add3A_15, %add3A_19 : i32
    %dma_wait3A_21 = arith.constant 0 : i32
    %dma_wait3A_22 = tpu.memref_slice %arg4[%add3A_20, %dma_wait3A_21] : memref<3276800x64xf32, #tpu.memory_space<hbm>> -> memref<200x64xf32, #tpu.memory_space<hbm>>
    %dma_wait3A_23 = arith.constant 0 : i32
    %dma_wait3A_24 = tpu.memref_slice %arg4[%add3A_20, %dma_wait3A_23] : memref<3276800x64xf32, #tpu.memory_space<hbm>> -> memref<200x64xf32, #tpu.memory_space<hbm>>
    tpu.wait_dma2 semaphore(%arg14 : memref<!tpu.dma_semaphore, #tpu.memory_space<semaphore_mem>>) src(%arg10 : memref<200x64xf32, #tpu.memory_space<vmem>>) dst(%dma_wait3A_24 : memref<200x64xf32, #tpu.memory_space<hbm>>)
    return
  }
}

</mosaic_0001>

<sc_bundles>
// kernel: _sc_gather.3.cloned.1.call-start
scs
__scs_entry_jumppad:
0x0: {  	(pc) =	sbr.rel $0x88, $3  }
0x1: {  	(tag) =	ssettag $0x0;
	lr =	simm.s32 $0x1  }
0x2: {  	[smem:$0x3F9F] =	sst lr;
	_ =	strace $0xD0000000  }
0x3: {  	_ = 	snop  }
0x4: {  	_ = 	snop  }
0x5: {  	_ = 	snop  }
0x6: {  	_ = 	snop  }
0x7: {  	_ = 	snop  }
__scs_overlays_trampoline_lowered:
0x8: {  	[smem:$0x3FAE] =	sst s0  }
0x9: {  	[smem:$0x3FAF] =	sst s1  }
0xa: {  	[smem:$0x3FB0] =	sst s2  }
0xb: {  	[smem:$0x3FB1] =	sst s3  }
0xc: {  	[smem:$0x3FB2] =	sst s4  }
0xd: {  	[smem:$0x3FB3] =	sst s5  }
0xe: {  	[smem:$0x3FB4] =	sst s6  }
0xf: {  	[smem:$0x3FB5] =	sst s7  }
0x10: {  	[smem:$0x3FB6] =	sst s8  }
0x11: {  	[smem:$0x3FB7] =	sst s9;
	s0 =	simm.s32 @!p0 $0x0  }
0x12: {  	s1 =	sld [smem:$0x3F9D];
	s0 =	simm.s32 @p0 $0x1  }
0x13: {  	[smem:$0x3FB8] =	sst s0;
	s0 =	simm.s32 @!p1 $0x0  }
0x14: {  	s2 =	sld [smem:$0x3F9C];
	s0 =	simm.s32 @p1 $0x1  }
0x15: {  	[smem:$0x3FB9] =	sst s0;
	s0 =	simm.s32 @!p2 $0x0  }
0x16: {  	s3 =	sld [smem:$0x3FDB];
	s0 =	simm.s32 @p2 $0x1  }
0x17: {  	s4 =	simm.s32 $0x1BF5;
	[smem:$0x3FBB] =	sst s0  }
0x18: {  	s0 =	sld [smem:$0x3F9E];
	_ =	swait.ge [sflag:s4], $0x0  }
0x19: {  	s7 =	sld [smem:$0x3F9F]  }
0x1a: {  	s8 =	sadd.s32 $0xFFFFE003, lr  }
0x1b: {  	s9 =	sadd.s32 $0xFFFFFEF7, lr;
	s5 =	simm.s32 $0xFFFFFFFF;
	p2 =	slt.u32 s8, $0xFFFFF086  }
0x1c: {  	p1 =	slt.u32 s9, $0xF7A;
	s5 =	simm.s32 @!p2 $0x0  }
0x1d: {  	s5 =	simm.s32 @p1 $0x1;
	p0 =	seq.s32 s7, s2  }
0x1e: {  	s7 =	smul.u32 @!p0 $0xF7A, s2;
	p2 =	seq.s32 @!p0 s5, $0x0  }
0x1f: {  	s9 =	smul.u32 $0xF7A, s1;
	s8 =	simm.s32 @!p0 $0x1BF5;
	p2 =	por !p2, p0  }
0x20: {  	[sflag:s8] =	ssyncset.s32 @!p0 $0xFFFFF086;
	s6 =	sadd.s32 @!p0 s3, s7;
	s7 =	simm.s32 @!p0 $0x108  }
0x21: {  	s3 =	sadd.s32 s3, s9;
	s6 =	sadd.s32 @!p0 $0x88, s6;
	s7 =	simm.s32 @p2 $0x1082  }
0x22: {  	[simem:s7], [sflag:s8] =	dma.local @!p0 [hbm:s6], $0xF7A  }
0x23: {  	s9 =	sor.u32 $0xD0000000, s2;
	s6 =	simm.s32 $0x108;
	_ =	swait.ge @!p0 [sflag:s8], $0x0  }
0x24: {  	s3 =	sadd.s32 $0x88, s3;
	s6 =	simm.s32 @!p1 $0x1082;
	[sflag:s4] =	ssyncset.s32 $0xFFFFF086  }
0x25: {  	[simem:s6], [sflag:s4] =	dma.local [hbm:s3], $0xF7A  }
0x26: {  	[smem:$0x3F9F] =	sst s1;
	(tag) =	ssettag s2;
	_ =	strace s9  }
0x27: {  	s1 =	sld [smem:$0x3FAF]  }
0x28: {  	s2 =	sld [smem:$0x3FB0]  }
0x29: {  	s4 =	sld [smem:$0x3FB2]  }
0x2a: {  	p0 =	seq.s32 s5, $0x0;
	s5 =	sld [smem:$0x3FB3]  }
0x2b: {  	s6 =	sld [smem:$0x3FB4]  }
0x2c: {  	s7 =	sld [smem:$0x3FB5]  }
0x2d: {  	s3 =	simm.s32 $0x108;
	s8 =	sld [smem:$0x3FB6]  }
0x2e: {  	s3 =	simm.s32 @!p0 $0x1082;
	s9 =	sld [smem:$0x3FB7]  }
0x2f: {  	lr =	sadd.s32 s0, s3;
	s0 =	sld [smem:$0x3FAE]  }
0x30: {  	s3 =	sld [smem:$0x3FB1]  }
0x31: {  	[smem:$0x3FBA] =	sst s10  }
0x32: {  	s10 =	sld [smem:$0x3FB8];
	_ =	sdelay $0x3  }
0x33: {  	p0 =	seq.s32 s10, $0x1;
	s10 =	sld [smem:$0x3FBA];
	_ =	sdelay $0x3  }
0x34: {  	[smem:$0x3FBA] =	sst s10  }
0x35: {  	s10 =	sld [smem:$0x3FB9];
	_ =	sdelay $0x3  }
0x36: {  	p1 =	seq.s32 s10, $0x1;
	s10 =	sld [smem:$0x3FBA];
	_ =	sdelay $0x3  }
0x37: {  	[smem:$0x3FBA] =	sst s10  }
0x38: {  	s10 =	sld [smem:$0x3FBB]  }
0x39: {  	_ = 	snop;
	(pc) =	sbr.ind lr, $3  }
0x3a: {  	_ = 	snop  }
0x3b: {  	_ = 	snop  }
0x3c: {  	p2 =	seq.s32 s10, $0x1;
	s10 =	sld [smem:$0x3FBA]  }
0x3d: {  	_ =	shalt  }
0x3e: {  	_ =	shalt  }
0x3f: {  	_ =	shalt  }
0x40: {  	_ =	shalt  }
0x41: {  	_ =	shalt  }
0x42: {  	_ =	shalt  }
0x43: {  	_ =	shalt  }
0x44: {  	_ =	shalt  }
0x45: {  	_ =	shalt  }
0x46: {  	_ =	shalt  }
0x47: {  	_ =	shalt  }
0x48: {  	_ =	shalt  }
0x49: {  	_ =	shalt  }
0x4a: {  	_ =	shalt  }
0x4b: {  	_ =	shalt  }
0x4c: {  	_ =	shalt  }
0x4d: {  	_ =	shalt  }
0x4e: {  	_ =	shalt  }
0x4f: {  	_ =	shalt  }
0x50: {  	_ =	shalt  }
0x51: {  	_ =	shalt  }
0x52: {  	_ =	shalt  }
0x53: {  	_ =	shalt  }
0x54: {  	_ =	shalt  }
0x55: {  	_ =	shalt  }
0x56: {  	_ =	shalt  }
0x57: {  	_ =	shalt  }
0x58: {  	_ =	shalt  }
0x59: {  	_ =	shalt  }
0x5a: {  	_ =	shalt  }
0x5b: {  	_ =	shalt  }
0x5c: {  	_ =	shalt  }
0x5d: {  	_ =	shalt  }
0x5e: {  	_ =	shalt  }
0x5f: {  	_ =	shalt  }
0x60: {  	_ =	shalt  }
0x61: {  	_ =	shalt  }
0x62: {  	_ =	shalt  }
0x63: {  	_ =	shalt  }
0x64: {  	_ =	shalt  }
0x65: {  	_ =	shalt  }
0x66: {  	_ =	shalt  }
0x67: {  	_ =	shalt  }
0x68: {  	_ =	shalt  }
0x69: {  	_ =	shalt  }
0x6a: {  	_ =	shalt  }
0x6b: {  	_ =	shalt  }
0x6c: {  	_ =	shalt  }
0x6d: {  	_ =	shalt  }
0x6e: {  	_ =	shalt  }
0x6f: {  	_ =	shalt  }
0x70: {  	_ =	shalt  }
0x71: {  	_ =	shalt  }
0x72: {  	_ =	shalt  }
0x73: {  	_ =	shalt  }
0x74: {  	_ =	shalt  }
0x75: {  	_ =	shalt  }
0x76: {  	_ =	shalt  }
0x77: {  	_ =	shalt  }
0x78: {  	_ =	shalt  }
0x79: {  	_ =	shalt  }
0x7a: {  	_ =	shalt  }
0x7b: {  	_ =	shalt  }
0x7c: {  	_ =	shalt  }
0x7d: {  	_ =	shalt  }
0x7e: {  	_ =	shalt  }
0x7f: {  	_ =	shalt  }
0x80: {  	_ =	shalt  }
0x81: {  	_ =	shalt  }
0x82: {  	_ =	shalt  }
0x83: {  	_ =	shalt  }
0x84: {  	_ =	shalt  }
0x85: {  	_ =	shalt  }
0x86: {  	_ =	shalt  }
0x87: {  	_ =	shalt  }
.Lfunc_end0:
.L_simem_size_0:
called_computation_lowered:
.L_overlay_start_0:
0x88: {  	s2 =	sld [smem:$0x3FD9]  }
0x89: {  	s3 =	sld [smem:$0x3FFE];
	_ =	sdelay $0x1  }
0x8a: {  	s1 =	srdreg.scid  }
0x8b: {  	s0 =	sand.u32 $0x1, s1  }
0x8c: {  	s17 =	sshll.u32 s0, $0xA;
	s2 =	sadd.s32 s3, s2  }
0x8d: {  	s2 =	sadd.s32 s2, s17  }
0x8e: {  	[smem:$0x3FC6] =	sst s2  }
0x8f: {  	_ = 	snop  }
0x90: {  	s2 =	sld [smem:$0x3FC9]  }
0x91: {  	s18 =	sld [smem:$0x3FC8];
	(tm) =	ssettm $0x1  }
0x92: {  	s4 =	sld [smem:$0x3FFB];
	_ =	sdelay $0x3  }
0x93: {  	_ =	strace s4  }
0x94: {  	s4 =	sld [smem:$0x3FFC];
	_ =	sdelay $0x3  }
0x95: {  	_ =	strace s4  }
0x96: {  	s4 =	sld [smem:$0x3FFD];
	_ =	sdelay $0x3  }
0x97: {  	_ =	strace s4  }
0x98: {  	_ =	strace $0x8FFFFFFF  }
0x99: {  	s19 =	sld [smem:$0x3FDB];
	_ =	sdelay $0x1  }
0x9a: {  	s5 =	simm.s32 $_scs_section_size  }
0x9b: {  	s6 =	simm.s32 $_size__tile_overlayer_lowered;
	s7 =	simm.s32 $_tile_overlayer_lowered  }
0x9c: {  	s22 =	simm.s32 $0x1BFF;
	s21 =	sshll.u32 s7, $0x1;
	s4 =	sadd.s32 s5, s19  }
0x9d: {  	s8 =	simm.s32 $0x0;
	s20 =	sshll.u32 s6, $0x1;
	s6 =	sadd.s32 s21, s4  }
0x9e: {  	[timem:s8], [sflag:s22] =	dma.local [hbm:s6], s20  }
0x9f: {  	_ =	swait.ge [sflag:s22], s20  }
0xa0: {  	s5 =	ssub.s32 $0x0, s20;
	[sflag:s22] =	ssyncset.done $0x0  }
0xa1: {  	[sflag:s22] =	ssyncadd.s32 s5;
	_ =	sdelay $0x1  }
0xa2: {  	s23 =	simm.s32 $0x1B8B  }
0xa3: {  	_ =	swait.ge [sflag:s23], $0x1  }
0xa4: {  	[sflag:s23] =	ssyncset.done $0x0  }
0xa5: {  	s25 =	simm.s32 $0x1B8E;
	s24 =	sld [smem:$0x3FFE];
	[sflag:s23] =	ssyncadd.s32 $0xFFFFFFFF  }
0xa6: {  	s26 =	simm.s32 $execute0_lowered;
	[smem:$0x3FD2] =	sst s25  }
0xa7: {  	s6 =	sshll.u32 s26, $0x1;
	_ =	strace $0x80000046;
	[dreg:$0x1] =	wrdreg $0xFFFFFFFF  }
0xa8: {  	s28 =	simm.s32 $_size_execute0_lowered;
	s4 =	sadd.s32 s4, s6;
	[dreg:$0x0] =	wrdreg $0x0  }
0xa9: {  	s6 =	sshll.u32 s28, $0x1;
	[dreg:$0x2] =	wrdreg s4  }
0xaa: {  	[dreg:$0x3] =	wrdreg s6  }
0xab: {  	[dreg:$0x4] =	wrdreg $0xC0  }
0xac: {  	_ =	task [dreg:s8], $0x5FFFF  }
0xad: {  	[dreg:$0x1] =	wrdreg $0xFFFFFFFF  }
0xae: {  	[dreg:$0x0] =	wrdreg $0x60  }
0xaf: {  	[dreg:$0x2] =	wrdreg s2  }
0xb0: {  	[dreg:$0x3] =	wrdreg s18  }
0xb1: {  	[dreg:$0x4] =	wrdreg s24  }
0xb2: {  	[dreg:$0x5] =	wrdreg $0x9  }
0xb3: {  	_ =	task.clear_ibuf [dreg:s8], $0x6FFFF;
	_ =	strace $0x90000046  }
0xb4: {  	s29 =	simm.s32 $0x9;
	_ =	strace $0x80000048  }
0xb5: {  	_ =	swait.ge [sflag:s29], $0x1  }
0xb6: {  	[sflag:s29] =	ssyncadd.s32 $0xFFFFFFFF  }
0xb7: {  	_ =	strace $0x90000048  }
0xb8: {  	_ =	sfence  }
0xb9: {  	s30 =	sld [smem:$0x0];
	_ =	sdelay $0x2  }
0xba: {  	s31 =	sshll.u32 s1, $0xD;
	s1 =	sshrl.u32 s1, $0x2  }
0xbb: {  	s3 =	sand.u32 $0x4000, s31;
	s1 =	sadd.s32 s1, s30  }
0xbc: {  	s0 =	sor.u32 s3, s0;
	s1 =	sshll.u32 s1, $0x11  }
0xbd: {  	s0 =	sor.u32 s1, s0  }
0xbe: {  	s0 =	sadd.s32 $0x8F2B, s0  }
0xbf: {  	[sflag:s0] =	ssyncadd.remote.s32 $0x1  }
0xc0: {  	_ =	sfence.sel $0xFFFF  }
0xc1: {  	[dreg:$0x0] =	wrdreg $0xFFFFFFFF;
	(pc) =	sbr.abs _section_cstart, $3  }
0xc2: {  	[dreg:$0x1] =	wrdreg $0xFFFFFFFF  }
0xc3: {  	_ =	task.clear_ibuf [dreg:s8], $0x2FFFF;
	_ =	strace $0x9FFFFFFF  }
0xc4: {  	(tm) =	ssettm $0x7FFFFFFF  }
0xc5: {  	_ =	shalt  }
tec
execute0_lowered:
.L_overlay_start_1:
0x0: {  	(tag) =	ssettag $0x1  }
0x1: {  	s1 =	rddreg [dreg:$0x0]  }
0x2: {  	s0 =	srdreg.scid;
	s3 =	rddreg [dreg:$0x1]  }
0x3: {  	s2 =	stileid.u32;
	s6 =	rddreg [dreg:$0x2]  }
0x4: {  	s4 =	simm.s32 $0x0;
	s15 =	simm.s32 $0x200;
	s16 =	simm.s32 $0x5  }
0x5: {  	s17 =	simm.s32 $0xC8;
	s18 =	simm.s32 $0x400;
	s19 =	simm.s32 $0x6800  }
0x6: {  	s20 =	simm.s32 $0x1;
	s21 =	simm.s32 $0xCC00;
	s22 =	simm.s32 $0x2  }
0x7: {  	s23 =	simm.s32 $0x13000;
	s24 =	simm.s32 $0x6;
	s25 =	simm.s32 $0x2C8  }
0x8: {  	s26 =	simm.s32 $0x3;
	s0 =	sand.u32 $0x1, s0;
	s2 =	sshll.u32 s2, $0x1  }
0x9: {  	s28 =	simm.s32 $0x4;
	s29 =	simm.s32 $0x0;
	s2 =	sor.u32 s0, s2  }
0xa: {  	[smem:$0x7FF] =	sst s4;
	s0 =	ssub.s32 $0x2, s0;
	s5 =	smul.u32 $0x19000, s2  }
0xb: {  	s6 =	sadd.s32 $0x400, s6;
	_ =	strace $0x80000047;
	s30 =	sshrl.u32 s0, $0x1  }
0xc: {  	s0 =	ssub.s32 s0, s30;
	s7 =	sshrl.u32 s5, $0x3;
	s9 =	sor.u32 $0x320, s5  }
0xd: {  	s10 =	sor.u32 $0xC8, s5;
	s0 =	smax.u32 s0, $0x1;
	s7 =	sadd.s32 s1, s7  }
0xe: {  	s11 =	sor.u32 $0x190, s5;
	[dreg:$0x5] =	wrdreg s0;
	s31 =	sadd.s32 $0x32, s7  }
0xf: {  	s12 =	sor.u32 $0x4B0, s5;
	s13 =	sor.u32 $0x258, s5;
	[dreg:$0x4] =	wrdreg s31  }
.LBB2_1:
0x10: {  	[tilespmem:s4], [sflag:$0x5] =	stream.linear.gather [hbm4b:s7+s4], $0x190, $0x38;
	[tilespmem:$0x19400] =	vst v63  }
0x11: {  	s0 =	rddreg [dreg:$0x4];
	s30 =	simm.s32 $0x0  }
0x12: {  	[tilespmem:s15], [sflag:$0x6] =	stream.linear.gather [hbm4b:s0+s4], $0x190, $0x38;
	[tilespmem:$0x19400] =	vst v63  }
.LBB2_2:
0x13: {  	_ =	swait.ge [sflag:s16], $0x190  }
0x14: {  	[sflag:s16] =	ssyncset.done $0x0  }
0x15: {  	[sflag:s16] =	ssyncadd.s32 $0xFFFFFE70  }
0x16: {  	[tilespmem:s18], [sflag:$0x1] =	stream.indirect.gather [hbm4b:s3+s17], $0x80, s4, s17, $0xb8;
	[tilespmem:$0x19400] =	vst v63  }
0x17: {  	_ = 	snop  }
0x18: {  	[tilespmem:s19], [sflag:$0x2] =	stream.indirect.gather [hbm4b:s3+s17], $0x80, s17, s17, $0xb8;
	[tilespmem:$0x19400] =	vst v63  }
0x19: {  	_ =	swait.ge [sflag:s20], $0x6400  }
0x1a: {  	p0 =	seq.s32 s30, $0x0;
	[sflag:s20] =	ssyncset.done $0x0  }
0x1b: {  	s0 =	simm.s32 @!p0 $0x3;
	[sflag:s20] =	ssyncadd.s32 $0xFFFF9C00  }
0x1c: {  	_ =	swait.ge @!p0 [sflag:s0], $0x6400  }
0x1d: {  	[sflag:s0] =	ssyncset.done @!p0 $0x0  }
0x1e: {  	s2 =	simm.s32 $0xB0;
	[sflag:s0] =	ssyncadd.s32 @!p0 $0xFFFF9C00  }
0x1f: {  	v3 =	vld [tilespmem:s2+$0x400]  }
0x20: {  	v4 =	vld [tilespmem:s2+$0x350]  }
0x21: {  	v5 =	vld [tilespmem:s2+$0x360]  }
0x22: {  	v2 =	vld [tilespmem:s2+$0x370]  }
0x23: {  	v0 =	vld [tilespmem:s2+$0x380]  }
0x24: {  	s31 =	smul.u32 $0x320, s30;
	v1 =	vld [tilespmem:s2+$0x3D0];
	[tilespmem:s2+$0xCC00] =	vst v3  }
0x25: {  	[tilespmem:s2+$0xCB50] =	vst v4;
	v3 =	vld [tilespmem:s2+$0x3E0]  }
0x26: {  	s8 =	simm.s32 $0x1B0;
	s14 =	simm.s32 $0xAC0;
	s0 =	sadd.s32 s5, s31;
	[tilespmem:s2+$0xCB60] =	vst v5;
	v4 =	vld [tilespmem:s2+$0x3F0]  }
.LBB2_3:
0x27: {  	p0 =	sne.s32 s14, $0x18EC0;
	v5 =	vld [tilespmem:s8+$0x400];
	[tilespmem:s2+$0xCB70] =	vst v2  }
0x28: {  	v6 =	vld [tilespmem:s8+$0x350];
	[tilespmem:s2+$0xCB80] =	vst v0  }
0x29: {  	v7 =	vld [tilespmem:s8+$0x360];
	[tilespmem:s2+$0xCBD0] =	vst v1  }
.Ltmp0:
0x2a: {  	v2 =	vld [tilespmem:s8+$0x370];
	[tilespmem:s2+$0xCBE0] =	vst v3;
	(pc) =	sbr.rel @p0 .LBB2_3-.Ltmp0, $4  }
0x2b: {  	v0 =	vld [tilespmem:s8+$0x380];
	[tilespmem:s2+$0xCBF0] =	vst v4;
	s2 =	smov.u32 s8  }
0x2c: {  	v1 =	vld [tilespmem:s2+$0x3D0];
	[tilespmem:s2+$0xCC00] =	vst v5  }
0x2d: {  	[tilespmem:s2+$0xCB50] =	vst v6;
	v3 =	vld [tilespmem:s2+$0x3E0]  }
0x2e: {  	s8 =	sshra.s32 s14, $0x2;
	s14 =	sadd.s32 $0x400, s14;
	[tilespmem:s2+$0xCB60] =	vst v7;
	v4 =	vld [tilespmem:s2+$0x3F0]  }
0x2f: {  	v5 =	vld [tilespmem:s8+$0x400];
	[tilespmem:s2+$0xCB70] =	vst v2  }
0x30: {  	v2 =	vld [tilespmem:s8+$0x350];
	[tilespmem:s2+$0xCB80] =	vst v0  }
0x31: {  	v0 =	vld [tilespmem:s8+$0x360];
	[tilespmem:s2+$0xCBD0] =	vst v1  }
0x32: {  	v1 =	vld [tilespmem:s8+$0x370];
	[tilespmem:s2+$0xCBE0] =	vst v3  }
0x33: {  	v3 =	vld [tilespmem:s8+$0x380];
	[tilespmem:s2+$0xCBF0] =	vst v4  }
0x34: {  	v4 =	vld [tilespmem:s8+$0x3D0];
	[tilespmem:s8+$0xCC00] =	vst v5  }
0x35: {  	[tilespmem:s8+$0xCB50] =	vst v2;
	v2 =	vld [tilespmem:s8+$0x3E0]  }
0x36: {  	[tilespmem:s8+$0xCB60] =	vst v0;
	v0 =	vld [tilespmem:s8+$0x3F0]  }
0x37: {  	[tilespmem:s8+$0xCB70] =	vst v1  }
0x38: {  	[tilespmem:s8+$0xCB80] =	vst v3  }
0x39: {  	[tilespmem:s8+$0xCBD0] =	vst v4  }
0x3a: {  	s0 =	sshll.u32 s0, $0x4;
	[tilespmem:s8+$0xCBE0] =	vst v2  }
0x3b: {  	p0 =	seq.s32 s30, $0x7F;
	s0 =	sadd.s32 s6, s0;
	[tilespmem:s8+$0xCBF0] =	vst v0  }
0x3c: {  	[hbm4b:s0+s4] =	stream.linear.scatter [tilespmem:s21], [sflag:$0x3], $0x6400, $0x38;
	[tilespmem:$0x19400] =	vst v63  }
0x3d: {  	p1 =	seq.s32 @!p0 s30, $0x0;
	s0 =	sadd.s32 @!p0 s31, s9;
	_ =	swait.ge [sflag:s22], $0x6400  }
0x3e: {  	p1 =	por p0, !p1;
	s0 =	sshrl.u32 @!p0 s0, $0x3;
	[sflag:s22] =	ssyncset.done $0x0  }
0x3f: {  	s2 =	simm.s32 @!p0 $0x0;
	s0 =	sadd.s32 @!p0 s1, s0;
	[sflag:s22] =	ssyncadd.s32 $0xFFFF9C00  }
0x40: {  	[tilespmem:s2], [sflag:$0x5] =	stream.linear.gather @!p0 [hbm4b:s0+s2], $0x190, $0x38;
	[tilespmem:$0x19400] =	vst v63  }
0x41: {  	_ =	swait.ge @p1 [sflag:s28], $0x6400  }
0x42: {  	[sflag:s28] =	ssyncset.done @p1 $0x0  }
0x43: {  	s0 =	simm.s32 $0xB0;
	[sflag:s28] =	ssyncadd.s32 @p1 $0xFFFF9C00  }
0x44: {  	v3 =	vld [tilespmem:s0+$0x6800]  }
0x45: {  	v4 =	vld [tilespmem:s0+$0x6750]  }
0x46: {  	v5 =	vld [tilespmem:s0+$0x6760]  }
0x47: {  	v2 =	vld [tilespmem:s0+$0x6770]  }
0x48: {  	v0 =	vld [tilespmem:s0+$0x6780]  }
0x49: {  	v1 =	vld [tilespmem:s0+$0x67D0];
	[tilespmem:s0+$0x13000] =	vst v3  }
0x4a: {  	[tilespmem:s0+$0x12F50] =	vst v4;
	v3 =	vld [tilespmem:s0+$0x67E0]  }
0x4b: {  	s8 =	simm.s32 $0xAC0;
	s2 =	simm.s32 $0x1B0;
	[tilespmem:s0+$0x12F60] =	vst v5;
	v4 =	vld [tilespmem:s0+$0x67F0]  }
.LBB2_5:
0x4c: {  	p1 =	sne.s32 s8, $0x18EC0;
	v5 =	vld [tilespmem:s2+$0x6800];
	[tilespmem:s0+$0x12F70] =	vst v2  }
0x4d: {  	v6 =	vld [tilespmem:s2+$0x6750];
	[tilespmem:s0+$0x12F80] =	vst v0  }
0x4e: {  	v7 =	vld [tilespmem:s2+$0x6760];
	[tilespmem:s0+$0x12FD0] =	vst v1  }
.Ltmp1:
0x4f: {  	v2 =	vld [tilespmem:s2+$0x6770];
	[tilespmem:s0+$0x12FE0] =	vst v3;
	(pc) =	sbr.rel @p1 .LBB2_5-.Ltmp1, $4  }
0x50: {  	v0 =	vld [tilespmem:s2+$0x6780];
	[tilespmem:s0+$0x12FF0] =	vst v4;
	s0 =	smov.u32 s2  }
0x51: {  	v1 =	vld [tilespmem:s0+$0x67D0];
	[tilespmem:s0+$0x13000] =	vst v5  }
0x52: {  	[tilespmem:s0+$0x12F50] =	vst v6;
	v3 =	vld [tilespmem:s0+$0x67E0]  }
0x53: {  	s2 =	sshra.s32 s8, $0x2;
	s8 =	sadd.s32 $0x400, s8;
	[tilespmem:s0+$0x12F60] =	vst v7;
	v4 =	vld [tilespmem:s0+$0x67F0]  }
0x54: {  	v5 =	vld [tilespmem:s2+$0x6800];
	[tilespmem:s0+$0x12F70] =	vst v2  }
0x55: {  	v2 =	vld [tilespmem:s2+$0x6750];
	[tilespmem:s0+$0x12F80] =	vst v0  }
0x56: {  	v0 =	vld [tilespmem:s2+$0x6760];
	[tilespmem:s0+$0x12FD0] =	vst v1  }
0x57: {  	v1 =	vld [tilespmem:s2+$0x6770];
	[tilespmem:s0+$0x12FE0] =	vst v3  }
0x58: {  	v3 =	vld [tilespmem:s2+$0x6780];
	[tilespmem:s0+$0x12FF0] =	vst v4  }
0x59: {  	v4 =	vld [tilespmem:s2+$0x67D0];
	[tilespmem:s2+$0x13000] =	vst v5  }
0x5a: {  	[tilespmem:s2+$0x12F50] =	vst v2;
	v2 =	vld [tilespmem:s2+$0x67E0]  }
0x5b: {  	[tilespmem:s2+$0x12F60] =	vst v0;
	v0 =	vld [tilespmem:s2+$0x67F0]  }
0x5c: {  	[tilespmem:s2+$0x12F70] =	vst v1  }
0x5d: {  	[tilespmem:s2+$0x12F80] =	vst v3  }
0x5e: {  	s14 =	sadd.s32 s31, s10;
	[tilespmem:s2+$0x12FD0] =	vst v4  }
0x5f: {  	s0 =	sshll.u32 s14, $0x4;
	[tilespmem:s2+$0x12FE0] =	vst v2  }
0x60: {  	s0 =	sadd.s32 s6, s0;
	[tilespmem:s2+$0x12FF0] =	vst v0  }
0x61: {  	[hbm4b:s0+s4] =	stream.linear.scatter [tilespmem:s23], [sflag:$0x4], $0x6400, $0x38;
	[tilespmem:$0x19400] =	vst v63  }
0x62: {  	_ =	swait.ge [sflag:s24], $0x190  }
0x63: {  	[sflag:s24] =	ssyncset.done $0x0  }
0x64: {  	[sflag:s24] =	ssyncadd.s32 $0xFFFFFE70  }
0x65: {  	[tilespmem:s18], [sflag:$0x1] =	stream.indirect.gather [hbm4b:s3+s17], $0x80, s15, s17, $0xb8;
	[tilespmem:$0x19400] =	vst v63  }
0x66: {  	_ = 	snop  }
0x67: {  	[tilespmem:s19], [sflag:$0x2] =	stream.indirect.gather [hbm4b:s3+s17], $0x80, s25, s17, $0xb8;
	[tilespmem:$0x19400] =	vst v63  }
0x68: {  	_ =	swait.ge [sflag:s20], $0x6400  }
0x69: {  	[sflag:s20] =	ssyncset.done $0x0  }
0x6a: {  	[sflag:s20] =	ssyncadd.s32 $0xFFFF9C00  }
0x6b: {  	_ =	swait.ge [sflag:s26], $0x6400  }
0x6c: {  	[sflag:s26] =	ssyncset.done $0x0  }
0x6d: {  	s0 =	simm.s32 $0xB0;
	[sflag:s26] =	ssyncadd.s32 $0xFFFF9C00  }
0x6e: {  	v3 =	vld [tilespmem:s0+$0x400]  }
0x6f: {  	v4 =	vld [tilespmem:s0+$0x350]  }
0x70: {  	v5 =	vld [tilespmem:s0+$0x360]  }
0x71: {  	v2 =	vld [tilespmem:s0+$0x370]  }
0x72: {  	v0 =	vld [tilespmem:s0+$0x380]  }
0x73: {  	v1 =	vld [tilespmem:s0+$0x3D0];
	[tilespmem:s0+$0xCC00] =	vst v3  }
0x74: {  	[tilespmem:s0+$0xCB50] =	vst v4;
	v3 =	vld [tilespmem:s0+$0x3E0]  }
0x75: {  	s8 =	simm.s32 $0xAC0;
	s2 =	simm.s32 $0x1B0;
	[tilespmem:s0+$0xCB60] =	vst v5;
	v4 =	vld [tilespmem:s0+$0x3F0]  }
.LBB2_7:
0x76: {  	p1 =	sne.s32 s8, $0x18EC0;
	v5 =	vld [tilespmem:s2+$0x400];
	[tilespmem:s0+$0xCB70] =	vst v2  }
0x77: {  	v6 =	vld [tilespmem:s2+$0x350];
	[tilespmem:s0+$0xCB80] =	vst v0  }
0x78: {  	v7 =	vld [tilespmem:s2+$0x360];
	[tilespmem:s0+$0xCBD0] =	vst v1  }
.Ltmp2:
0x79: {  	v2 =	vld [tilespmem:s2+$0x370];
	[tilespmem:s0+$0xCBE0] =	vst v3;
	(pc) =	sbr.rel @p1 .LBB2_7-.Ltmp2, $4  }
0x7a: {  	v0 =	vld [tilespmem:s2+$0x380];
	[tilespmem:s0+$0xCBF0] =	vst v4;
	s0 =	smov.u32 s2  }
0x7b: {  	v1 =	vld [tilespmem:s0+$0x3D0];
	[tilespmem:s0+$0xCC00] =	vst v5  }
0x7c: {  	[tilespmem:s0+$0xCB50] =	vst v6;
	v3 =	vld [tilespmem:s0+$0x3E0]  }
0x7d: {  	s2 =	sshra.s32 s8, $0x2;
	s8 =	sadd.s32 $0x400, s8;
	[tilespmem:s0+$0xCB60] =	vst v7;
	v4 =	vld [tilespmem:s0+$0x3F0]  }
0x7e: {  	v5 =	vld [tilespmem:s2+$0x400];
	[tilespmem:s0+$0xCB70] =	vst v2  }
0x7f: {  	v2 =	vld [tilespmem:s2+$0x350];
	[tilespmem:s0+$0xCB80] =	vst v0  }
0x80: {  	v0 =	vld [tilespmem:s2+$0x360];
	[tilespmem:s0+$0xCBD0] =	vst v1  }
0x81: {  	v1 =	vld [tilespmem:s2+$0x370];
	[tilespmem:s0+$0xCBE0] =	vst v3  }
0x82: {  	v3 =	vld [tilespmem:s2+$0x380];
	[tilespmem:s0+$0xCBF0] =	vst v4  }
0x83: {  	v4 =	vld [tilespmem:s2+$0x3D0];
	[tilespmem:s2+$0xCC00] =	vst v5  }
0x84: {  	[tilespmem:s2+$0xCB50] =	vst v2;
	v2 =	vld [tilespmem:s2+$0x3E0]  }
0x85: {  	[tilespmem:s2+$0xCB60] =	vst v0;
	v0 =	vld [tilespmem:s2+$0x3F0]  }
0x86: {  	[tilespmem:s2+$0xCB70] =	vst v1  }
0x87: {  	[tilespmem:s2+$0xCB80] =	vst v3  }
0x88: {  	s14 =	sadd.s32 s31, s11;
	[tilespmem:s2+$0xCBD0] =	vst v4  }
0x89: {  	s0 =	sshll.u32 s14, $0x4;
	[tilespmem:s2+$0xCBE0] =	vst v2  }
0x8a: {  	s0 =	sadd.s32 s6, s0;
	[tilespmem:s2+$0xCBF0] =	vst v0  }
0x8b: {  	[hbm4b:s0+s4] =	stream.linear.scatter [tilespmem:s21], [sflag:$0x3], $0x6400, $0x38;
	[tilespmem:$0x19400] =	vst v63  }
0x8c: {  	s0 =	sadd.s32 @!p0 s31, s12;
	_ =	swait.ge [sflag:s22], $0x6400  }
0x8d: {  	s8 =	simm.s32 @!p0 $0x200;
	s0 =	sshrl.u32 @!p0 s0, $0x3;
	[sflag:s22] =	ssyncset.done $0x0  }
0x8e: {  	s2 =	simm.s32 @!p0 $0x0;
	s0 =	sadd.s32 @!p0 s1, s0;
	[sflag:s22] =	ssyncadd.s32 $0xFFFF9C00  }
0x8f: {  	[tilespmem:s8], [sflag:$0x6] =	stream.linear.gather @!p0 [hbm4b:s0+s2], $0x190, $0x38;
	[tilespmem:$0x19400] =	vst v63  }
0x90: {  	_ =	swait.ge [sflag:s28], $0x6400  }
0x91: {  	[sflag:s28] =	ssyncset.done $0x0  }
0x92: {  	s0 =	simm.s32 $0xB0;
	[sflag:s28] =	ssyncadd.s32 $0xFFFF9C00  }
0x93: {  	v3 =	vld [tilespmem:s0+$0x6800]  }
0x94: {  	v4 =	vld [tilespmem:s0+$0x6750]  }
0x95: {  	v5 =	vld [tilespmem:s0+$0x6760]  }
0x96: {  	v2 =	vld [tilespmem:s0+$0x6770]  }
0x97: {  	v0 =	vld [tilespmem:s0+$0x6780]  }
0x98: {  	v1 =	vld [tilespmem:s0+$0x67D0];
	[tilespmem:s0+$0x13000] =	vst v3  }
0x99: {  	[tilespmem:s0+$0x12F50] =	vst v4;
	v3 =	vld [tilespmem:s0+$0x67E0]  }
0x9a: {  	s2 =	simm.s32 $0x1B0;
	s8 =	simm.s32 $0xAC0;
	[tilespmem:s0+$0x12F60] =	vst v5;
	v4 =	vld [tilespmem:s0+$0x67F0]  }
.LBB2_9:
0x9b: {  	p0 =	sne.s32 s8, $0x18EC0;
	v5 =	vld [tilespmem:s2+$0x6800];
	[tilespmem:s0+$0x12F70] =	vst v2  }
0x9c: {  	v6 =	vld [tilespmem:s2+$0x6750];
	[tilespmem:s0+$0x12F80] =	vst v0  }
0x9d: {  	v7 =	vld [tilespmem:s2+$0x6760];
	[tilespmem:s0+$0x12FD0] =	vst v1  }
.Ltmp3:
0x9e: {  	v2 =	vld [tilespmem:s2+$0x6770];
	[tilespmem:s0+$0x12FE0] =	vst v3;
	(pc) =	sbr.rel @p0 .LBB2_9-.Ltmp3, $4  }
0x9f: {  	v0 =	vld [tilespmem:s2+$0x6780];
	[tilespmem:s0+$0x12FF0] =	vst v4;
	s0 =	smov.u32 s2  }
0xa0: {  	v1 =	vld [tilespmem:s0+$0x67D0];
	[tilespmem:s0+$0x13000] =	vst v5  }
0xa1: {  	[tilespmem:s0+$0x12F50] =	vst v6;
	v3 =	vld [tilespmem:s0+$0x67E0]  }
0xa2: {  	s2 =	sshra.s32 s8, $0x2;
	s8 =	sadd.s32 $0x400, s8;
	[tilespmem:s0+$0x12F60] =	vst v7;
	v4 =	vld [tilespmem:s0+$0x67F0]  }
0xa3: {  	v5 =	vld [tilespmem:s2+$0x6800];
	[tilespmem:s0+$0x12F70] =	vst v2  }
0xa4: {  	v2 =	vld [tilespmem:s2+$0x6750];
	[tilespmem:s0+$0x12F80] =	vst v0  }
0xa5: {  	v0 =	vld [tilespmem:s2+$0x6760];
	[tilespmem:s0+$0x12FD0] =	vst v1  }
0xa6: {  	v1 =	vld [tilespmem:s2+$0x6770];
	[tilespmem:s0+$0x12FE0] =	vst v3  }
0xa7: {  	v3 =	vld [tilespmem:s2+$0x6780];
	[tilespmem:s0+$0x12FF0] =	vst v4  }
0xa8: {  	v4 =	vld [tilespmem:s2+$0x67D0];
	[tilespmem:s2+$0x13000] =	vst v5  }
0xa9: {  	v62 =	vld [tilespmem:s2+$0x67E0];
	[tilespmem:s2+$0x12F50] =	vst v2  }
0xaa: {  	s30 =	sadd.s32 $0x1, s30;
	v63 =	vld [tilespmem:s2+$0x67F0];
	[tilespmem:s2+$0x12F60] =	vst v0  }
0xab: {  	p0 =	sne.s32 s30, $0x80;
	[tilespmem:s2+$0x12F70] =	vst v1  }
.Ltmp4:
0xac: {  	[tilespmem:s2+$0x12F80] =	vst v3;
	(pc) =	sbr.rel @p0 .LBB2_2-.Ltmp4, $4  }
0xad: {  	s31 =	sadd.s32 s31, s13;
	[tilespmem:s2+$0x12FD0] =	vst v4  }
0xae: {  	s0 =	sshll.u32 s31, $0x4;
	[tilespmem:s2+$0x12FE0] =	vst v62  }
0xaf: {  	s0 =	sadd.s32 s6, s0;
	[tilespmem:s2+$0x12FF0] =	vst v63  }
0xb0: {  	[hbm4b:s0+s4] =	stream.linear.scatter [tilespmem:s23], [sflag:$0x4], $0x6400, $0x38;
	[tilespmem:$0x19400] =	vst v63  }
0xb1: {  	_ =	swait.ge [sflag:s26], $0x6400  }
0xb2: {  	[sflag:s26] =	ssyncset.done $0x0  }
0xb3: {  	[sflag:s26] =	ssyncadd.s32 $0xFFFF9C00  }
0xb4: {  	_ =	swait.ge [sflag:s28], $0x6400  }
0xb5: {  	s29 =	sadd.s32 $0x1, s29;
	s0 =	rddreg [dreg:$0x5]  }
0xb6: {  	p0 =	sne.s32 s29, s0  }
.Ltmp5:
0xb7: {  	_ = 	snop;
	(pc) =	sbr.rel @p0 .LBB2_1-.Ltmp5, $3  }
0xb8: {  	_ =	sdelay $0x1  }
0xb9: {  	[sflag:s28] =	ssyncset.done $0x0  }
0xba: {  	[sflag:s28] =	ssyncadd.s32 $0xFFFF9C00  }
0xbb: {  	_ =	sfence.sel $0x180000  }
0xbc: {  	[bflag:$0x0] =	sbarrier.arrive $0xFFFF  }
0xbd: {  	_ =	strace $0x90000047  }
0xbe: {  	s0 =	stileid.u32;
	[bflag:$0x2] =	sbarrier.arrive $0xFFFF  }
0xbf: {  	p0 =	sne.s32 s0, $0x0;
	s0 =	rddreg [dreg:$0x3]  }
0xc0: {  	s0 =	sadd.s32 @!p0 $0x100000, s0  }
0xc1: {  	[sflag:s0] =	ssyncadd.tile.s32 @!p0 $0x1;
	_ =	shalt  }
.Lfunc_end2:
_tile_overlayer_lowered:
.L_overlay_start_2:
0xc2: {  	(tag) =	ssettag $0x2  }
0xc3: {  	s0 =	rddreg [dreg:$0x0];
	s2 =	stileid.u32  }
0xc4: {  	s1 =	rddreg [dreg:$0x1];
	p0 =	sne.s32 s2, $0x0  }
0xc5: {  	s3 =	rddreg [dreg:$0x2];
	[bflag:$0x3] =	sbarrier.arrive $0xFFFF;
	s2 =	simm.s32 @!p0 $0x1C07  }
0xc6: {  	[timem:s3], [sflag:s2] =	dma.local @!p0 [hbm:s0], s1  }
0xc7: {  	s0 =	simm.s32 @!p0 $0x7  }
0xc8: {  	_ =	swait.ge @!p0 [sflag:s0], s1  }
0xc9: {  	s1 =	ssub.s32 @!p0 $0x0, s1;
	[sflag:s0] =	ssyncset.done @!p0 $0x0  }
0xca: {  	[sflag:s0] =	ssyncadd.s32 @!p0 s1  }
0xcb: {  	[bflag:$0x3] =	sbarrier.arrive $0xFFFF  }
0xcc: {  	_ =	shalt  }

</sc_bundles>
